<compile_context>
chip_gen: v7x
topology: tpu7x:2x2x1
jax: 0.10.2.dev20260603
libtpu: 0.0.44.dev20260713+nightly
codegen_flags: <defaults>
</compile_context>

<pallas_src>
import functools

import jax
import jax.numpy as jnp
from jax import lax
from jax.experimental import pallas as pl
from jax.experimental.pallas import tpu as pltpu
from jax.experimental.pallas import tpu_sc as plsc

NC = 2
NS = 16
NT = NC * NS

N = 10000
NP = 10240
E = 160000
G = 64
D_IN = 256
H = 128
C_OUT = 2

EDGE_CHUNK = 128
CH = 40
EPT = CH * EDGE_CHUNK
EP = NT * EPT
EDT = E // NT
NVR = (EDT + 15) // 16
ROWS_PER_TILE = NP // NS


def _sc_mesh():
    return plsc.VectorSubcoreMesh(core_axis_name="c", subcore_axis_name="s",
                                  num_cores=NC, num_subcores=NS)


def _deg_kernel(dst_hbm, out_hbm, idx_v, cnt_v):
    c = lax.axis_index("c")
    s = lax.axis_index("s")
    wid = c * NS + s

    zeros = jnp.zeros((16,), jnp.float32)

    def zero_body(i, _):
        cnt_v[pl.ds(i * 16, 16)] = zeros
        return 0

    lax.fori_loop(0, NP // 16, zero_body, 0)

    idx_v[pl.ds(NVR * 16 - 16, 16)] = jnp.zeros((16,), jnp.int32)
    pltpu.sync_copy(dst_hbm.at[pl.ds(wid * EDT, EDT)],
                    idx_v.at[pl.ds(0, EDT)])

    ones = jnp.ones((16,), jnp.float32)
    lanes = lax.broadcasted_iota(jnp.int32, (16,), 0)

    def body(i, _):
        idx = idx_v[pl.ds(i * 16, 16)]
        m = (i * 16 + lanes) < EDT
        plsc.addupdate_scatter(cnt_v, [idx], ones, mask=m)
        return 0

    lax.fori_loop(0, NVR, body, 0)
    pltpu.sync_copy(cnt_v, out_hbm.at[wid])


def _deg_call(dst_flat):
    return pl.kernel(
        _deg_kernel,
        out_type=jax.ShapeDtypeStruct((NT, NP), jnp.float32),
        mesh=_sc_mesh(),
        compiler_params=pltpu.CompilerParams(needs_layout_passes=False),
        scratch_types=[
            pltpu.VMEM((NVR * 16,), jnp.int32),
            pltpu.VMEM((NP,), jnp.float32),
        ],
    )(dst_flat)


def _scatter_kernel(g_hbm, src_hbm, dst_hbm, out_hbm,
                    src_v, dst_v, rows_a, rows_b, zero_v, acc_sh,
                    sem_a, sem_b):
    c = lax.axis_index("c")
    s = lax.axis_index("s")
    wid = c * NS + s
    row0 = s * ROWS_PER_TILE

    zeros = jnp.zeros((16,), jnp.float32)

    with jax.named_scope("sc_zero"):
        def zbuf_body(i, _):
            for j in range(H // 16):
                zero_v[i, pl.ds(j * 16, 16)] = zeros
            return 0

        lax.fori_loop(0, 16, zbuf_body, 0)

        def zacc_body(i, _):
            pltpu.sync_copy(zero_v, acc_sh.at[pl.ds(row0 + i * 16, 16)])
            return 0

        lax.fori_loop(0, ROWS_PER_TILE // 16, zacc_body, 0)

    with jax.named_scope("sc_idx"):
        pltpu.sync_copy(src_hbm.at[pl.ds(wid * CH, CH)], src_v)
        pltpu.sync_copy(dst_hbm.at[pl.ds(wid * CH, CH)], dst_v)
        plsc.subcore_barrier()

    with jax.named_scope("sc_edges"):
        pltpu.async_copy(g_hbm.at[src_v.at[0]], rows_a, sem_a)

        def body(t, _):
            j = 2 * t
            pltpu.async_copy(g_hbm.at[src_v.at[j + 1]], rows_b, sem_b)
            pltpu.make_async_copy(g_hbm.at[src_v.at[j]], rows_a, sem_a).wait()
            pltpu.sync_copy(rows_a, acc_sh.at[dst_v.at[j]], add=True)

            @pl.when(t + 1 < CH // 2)
            def _():
                pltpu.async_copy(g_hbm.at[src_v.at[j + 2]], rows_a, sem_a)

            pltpu.make_async_copy(g_hbm.at[src_v.at[j + 1]], rows_b,
                                  sem_b).wait()
            pltpu.sync_copy(rows_b, acc_sh.at[dst_v.at[j + 1]], add=True)
            return 0

        lax.fori_loop(0, CH // 2, body, 0)
        plsc.subcore_barrier()

    with jax.named_scope("sc_writeback"):
        pltpu.sync_copy(acc_sh.at[pl.ds(row0, ROWS_PER_TILE)],
                        out_hbm.at[c, pl.ds(row0, ROWS_PER_TILE)])


def _scatter_call(g_pad, src2d, dst2d):
    return pl.kernel(
        _scatter_kernel,
        out_type=jax.ShapeDtypeStruct((NC, NP, H), jnp.float32),
        mesh=_sc_mesh(),
        compiler_params=pltpu.CompilerParams(needs_layout_passes=False),
        scratch_types=[
            pltpu.VMEM((CH, EDGE_CHUNK), jnp.int32),
            pltpu.VMEM((CH, EDGE_CHUNK), jnp.int32),
            pltpu.VMEM((EDGE_CHUNK, H), jnp.float32),
            pltpu.VMEM((EDGE_CHUNK, H), jnp.float32),
            pltpu.VMEM((16, H), jnp.float32),
            pltpu.VMEM_SHARED((NP, H), jnp.float32),
            pltpu.SemaphoreType.DMA,
            pltpu.SemaphoreType.DMA,
        ],
    )(g_pad, src2d, dst2d)


def _g_kernel(x_ref, w_ref, deg_ref, ones_ref, g_ref, dinv_ref):
    h = jnp.dot(x_ref[...], w_ref[...], preferred_element_type=jnp.float32)
    cnt = lax.dot_general(deg_ref[...], ones_ref[...],
                          (((0,), (0,)), ((), ())),
                          preferred_element_type=jnp.float32)
    dinv = lax.rsqrt(cnt + 1.0)
    g_ref[...] = h * dinv
    dinv_ref[...] = dinv


def _g_call(x, w_conv, deg_parts):
    blk = 1024
    grid = NP // blk
    ones = jnp.ones((NT, 1), jnp.float32)
    return pl.pallas_call(
        _g_kernel,
        grid=(grid,),
        in_specs=[
            pl.BlockSpec((blk, D_IN), lambda i: (i, 0)),
            pl.BlockSpec((D_IN, H), lambda i: (0, 0)),
            pl.BlockSpec((NT, blk), lambda i: (0, i)),
            pl.BlockSpec((NT, 1), lambda i: (0, 0)),
        ],
        out_specs=[
            pl.BlockSpec((blk, H), lambda i: (i, 0)),
            pl.BlockSpec((blk, 1), lambda i: (i, 0)),
        ],
        out_shape=[
            jax.ShapeDtypeStruct((NP, H), jnp.float32),
            jax.ShapeDtypeStruct((NP, 1), jnp.float32),
        ],
    )(x, w_conv, deg_parts, ones)


_DB = 512


def _pool_kernel(s0_ref, s1_ref, g_ref, dinv_ref, bconv_ref, batch_ref,
                 batch_s_ref, hp_ref, root_ref,
                 hsum_ref, hmax_ref, rootsum_ref, carry_ref):
    bi = pl.program_id(0)
    nb = pl.num_programs(0)

    @pl.when(bi == 0)
    def _init():
        hsum_ref[...] = jnp.zeros((G, H), jnp.float32)
        hmax_ref[...] = jnp.full((G, H), -jnp.inf, jnp.float32)
        rootsum_ref[...] = jnp.zeros((G,), jnp.int32)
        carry_ref[0] = batch_s_ref[0]
        carry_ref[1] = 0

    bb = batch_ref[...]
    ridx = lax.broadcasted_iota(jnp.int32, (_DB, 1), 0) + bi * _DB
    valid = ridx < N

    hc = (s0_ref[0] + s1_ref[0] + g_ref[...]) * dinv_ref[...]
    hc = jnp.maximum(hc + bconv_ref[...][None, :], 0.0)
    hc = jnp.where(valid, hc, 0.0)

    prev_last = carry_ref[0]
    cnt_carry = carry_ref[1]
    shifted = jnp.concatenate(
        [jnp.full((1, 1), prev_last, jnp.int32), bb[:-1]], axis=0)
    bvec = jnp.where((bb != shifted) & valid, 1, 0)

    k = bvec
    sh = 1
    while sh < _DB:
        k = k + jnp.concatenate(
            [jnp.zeros((sh, 1), jnp.int32), k[:-sh]], axis=0)
        sh *= 2
    k = k + cnt_carry

    kb = jnp.broadcast_to(k, (_DB, G))
    rows = lax.broadcasted_iota(jnp.int32, (_DB, G), 1)
    hit = (kb == rows) & jnp.broadcast_to(bvec == 1, (_DB, G))
    contrib = jnp.where(hit, jnp.broadcast_to(ridx, (_DB, G)), 0)
    rootsum_ref[...] += jnp.sum(contrib, axis=0)

    carry_ref[0] = batch_s_ref[_DB - 1]
    carry_ref[1] = cnt_carry + jnp.sum(bvec)

    onehot = ((jnp.broadcast_to(bb, (_DB, G)) == rows) &
              jnp.broadcast_to(valid, (_DB, G))).astype(jnp.float32)
    hsum_ref[...] += lax.dot_general(onehot, hc, (((0,), (0,)), ((), ())),
                                     precision=lax.Precision.HIGHEST,
                                     preferred_element_type=jnp.float32)

    gmin = batch_s_ref[0]
    gmax = batch_s_ref[_DB - 1]

    def gbody(gi, _):
        mask = (bb == gi) & valid
        smax = jnp.max(jnp.where(mask, hc, -jnp.inf), axis=0, keepdims=True)
        hmax_ref[pl.ds(gi, 1), :] = jnp.maximum(hmax_ref[pl.ds(gi, 1), :],
                                                smax)
        return 0

    lax.fori_loop(gmin, gmax + 1, gbody, 0)

    @pl.when(bi == nb - 1)
    def _fin():
        hp_ref[...] = hmax_ref[...] + hsum_ref[...]
        iota_g = lax.broadcasted_iota(jnp.int32, (G,), 0)
        root_ref[...] = jnp.where(iota_g == 0, 0,
                                  jnp.maximum(rootsum_ref[...], 1))


def _pool_call(s_parts, g_pad, dinv, b_conv, batch2d, batch_pad):
    grid = NP // _DB
    return pl.pallas_call(
        _pool_kernel,
        grid=(grid,),
        in_specs=[
            pl.BlockSpec((1, _DB, H), lambda i: (0, i, 0)),
            pl.BlockSpec((1, _DB, H), lambda i: (1, i, 0)),
            pl.BlockSpec((_DB, H), lambda i: (i, 0)),
            pl.BlockSpec((_DB, 1), lambda i: (i, 0)),
            pl.BlockSpec((H,), lambda i: (0,)),
            pl.BlockSpec((_DB, 1), lambda i: (i, 0)),
            pl.BlockSpec((_DB,), lambda i: (i,), memory_space=pltpu.SMEM),
        ],
        out_specs=[
            pl.BlockSpec((G, H), lambda i: (0, 0)),
            pl.BlockSpec((G,), lambda i: (0,)),
        ],
        out_shape=[
            jax.ShapeDtypeStruct((G, H), jnp.float32),
            jax.ShapeDtypeStruct((G,), jnp.int32),
        ],
        scratch_shapes=[
            pltpu.VMEM((G, H), jnp.float32),
            pltpu.VMEM((G, H), jnp.float32),
            pltpu.VMEM((G,), jnp.int32),
            pltpu.SMEM((2,), jnp.int32),
        ],
    )(s_parts, s_parts, g_pad, dinv, b_conv, batch2d, batch_pad)


def _head_kernel(x_ref, root_ref, hp_ref, w0_ref, b0_ref, w1_ref, b1_ref,
                 w2_ref, b2_ref, o_ref, xr_ref):
    def gbody(i, _):
        r = root_ref[i]
        xr_ref[pl.ds(i, 1), :] = x_ref[pl.ds(r, 1), :]
        return 0

    lax.fori_loop(0, G, gbody, 0)
    news = jnp.dot(xr_ref[...], w0_ref[...],
                   preferred_element_type=jnp.float32)
    news = jnp.maximum(news + b0_ref[...][None, :], 0.0)
    cat = jnp.concatenate([news, hp_ref[...]], axis=1)
    h2 = jnp.dot(cat, w1_ref[...], preferred_element_type=jnp.float32)
    h2 = jnp.maximum(h2 + b1_ref[...][None, :], 0.0)
    logits = jnp.dot(h2, w2_ref[...], preferred_element_type=jnp.float32)
    logits = logits + b2_ref[...][None, :]
    mx = jnp.max(logits, axis=1, keepdims=True)
    lse = jnp.log(jnp.sum(jnp.exp(logits - mx), axis=1, keepdims=True)) + mx
    o_ref[...] = logits - lse


def _head_call(x, root, hp, w0, b0, w1, b1, w2, b2):
    return pl.pallas_call(
        _head_kernel,
        in_specs=[
            pl.BlockSpec((N, D_IN), lambda: (0, 0)),
            pl.BlockSpec(memory_space=pltpu.SMEM),
            pl.BlockSpec((G, H), lambda: (0, 0)),
            pl.BlockSpec((D_IN, H), lambda: (0, 0)),
            pl.BlockSpec((H,), lambda: (0,)),
            pl.BlockSpec((2 * H, H), lambda: (0, 0)),
            pl.BlockSpec((H,), lambda: (0,)),
            pl.BlockSpec((H, C_OUT), lambda: (0, 0)),
            pl.BlockSpec((C_OUT,), lambda: (0,)),
        ],
        out_shape=jax.ShapeDtypeStruct((G, C_OUT), jnp.float32),
        scratch_shapes=[pltpu.VMEM((G, D_IN), jnp.float32)],
    )(x, root, hp, w0, b0, w1, b1, w2, b2)


def kernel(x, edge_index, batch, W_conv, b_conv, W0, b0, W1, b1, W2, b2):
    batch_pad = jnp.concatenate(
        [batch, jnp.full((NP - N,), G - 1, jnp.int32)])

    pad = EP - E
    pad_rows = N + (jnp.arange(pad, dtype=jnp.int32) % (NP - N))
    src2d = jnp.concatenate([edge_index[0], pad_rows]).reshape(
        EP // EDGE_CHUNK, EDGE_CHUNK)
    dst2d = jnp.concatenate([edge_index[1], pad_rows]).reshape(
        EP // EDGE_CHUNK, EDGE_CHUNK)

    deg_parts = _deg_call(edge_index[1])
    g_pad, dinv = _g_call(x, W_conv, deg_parts)
    s_parts = _scatter_call(g_pad, src2d, dst2d)
    hp, root = _pool_call(s_parts, g_pad, dinv,
                          b_conv, batch_pad[:, None], batch_pad)
    return _head_call(x, root, hp, W0, b0, W1, b1, W2, b2)

# --- scband reference (transcript-rebuilt; emitter-appended) ---
"""Pipeline reference for scband-net-67645734912358 (READ-ONLY COPY).

The authoritative reference and input builder live on the scoring server;
editing this copy changes nothing except your own understanding.
"""

import jax, jax.numpy as jnp
import numpy as np

N = 10000
E = 160000
G = 64
D_IN = 256
H = 128
C = 2


def setup_inputs(seed: int = 0):
    key = jax.random.key(seed)
    ks = jax.random.split(key, 12)
    x = jax.random.normal(ks[0], (N, D_IN), dtype=jnp.float32)
    edge_index = jax.random.randint(ks[1], (2, E), 0, N, dtype=jnp.int32)
    batch = jnp.sort(jax.random.randint(ks[2], (N,), 0, G, dtype=jnp.int32))

    def lin(k, fan_in, shape):
        return jax.random.normal(k, shape, dtype=jnp.float32) / np.sqrt(fan_in)

    W_conv = lin(ks[3], D_IN, (D_IN, H))
    b_conv = jnp.zeros((H,), dtype=jnp.float32)
    W0 = lin(ks[4], D_IN, (D_IN, H))
    b0 = jnp.zeros((H,), dtype=jnp.float32)
    W1 = lin(ks[5], 2 * H, (2 * H, H))
    b1 = jnp.zeros((H,), dtype=jnp.float32)
    W2 = lin(ks[6], H, (H, C))
    b2 = jnp.zeros((C,), dtype=jnp.float32)
    return {"x": x, "edge_index": edge_index, "batch": batch,
            "W_conv": W_conv, "b_conv": b_conv, "W0": W0, "b0": b0,
            "W1": W1, "b1": b1, "W2": W2, "b2": b2}


def gcn_conv(x, edge_index, W, b):
    # PyG GCNConv: add self-loops, symmetric normalization, linear first
    n = x.shape[0]
    loop = jnp.arange(n, dtype=edge_index.dtype)
    src = jnp.concatenate([edge_index[0], loop])
    dst = jnp.concatenate([edge_index[1], loop])
    h = x @ W
    deg = jax.ops.segment_sum(jnp.ones_like(dst, dtype=h.dtype), dst, num_segments=n)
    dinv = jnp.where(deg > 0, jax.lax.rsqrt(deg), 0.0)
    norm = dinv[src] * dinv[dst]
    msg = h[src] * norm[:, None]
    out = jax.ops.segment_sum(msg, dst, num_segments=n)
    return out + b


def reference(x, edge_index, batch, W_conv, b_conv, W0, b0, W1, b1, W2, b2):
    # mixture == 'type7' branch (args.mixture is a module-level global in the original)
    h = jax.nn.relu(gcn_conv(x, edge_index, W_conv, b_conv))
    h_node = jax.ops.segment_max(h, batch, num_segments=G)   # global_max_pool
    h_graph = jax.ops.segment_sum(h, batch, num_segments=G)  # global_add_pool
    h = h_node + h_graph
    # concat=True branch: gather root (first node of each graph)
    diff = batch[1:] - batch[:-1]
    root = jnp.flatnonzero(diff, size=G - 1, fill_value=0) + 1
    root = jnp.concatenate([jnp.zeros((1,), dtype=root.dtype), root])
    news = x[root]
    news = jax.nn.relu(news @ W0 + b0)
    h = jax.nn.relu(jnp.concatenate([news, h], axis=-1) @ W1 + b1)
    h = h @ W2 + b2
    return jax.nn.log_softmax(h, axis=-1)

if __name__ == "__main__":
    import jax
    _d = setup_inputs()
    print(jax.jit(kernel)(*tuple(_d.values())))

</pallas_src>

<mosaic_0001>
#map = affine_map<(d0, d1) -> (0)>
#map1 = affine_map<(d0, d1) -> (0, 0)>
module attributes {stable_mosaic.version = 14 : i64} {
  func.func @_deg_kernel(%arg0: i32, %arg1: i32, %arg2: memref<160000xi32, #tpu.memory_space<hbm>>, %arg3: memref<32x10240xf32, #tpu.memory_space<hbm>>, %arg4: memref<5008xi32, #tpu.memory_space<vmem>>, %arg5: memref<10240xf32, #tpu.memory_space<vmem>>) attributes {dimension_semantics = [#tpu.dimension_semantics<core_parallel>, #tpu.dimension_semantics<subcore_parallel>], iteration_bounds = array<i64: 2, 16>, scalar_prefetch = 0 : i64, scratch_operands = 2 : i64, tpu.core_type = #tpu.core_type<sc_vector_subcore>, window_params = [{transform_indices = #map}, {transform_indices = #map1}]} {
    %mul3A = arith.constant 16 : i32
    %mul3A_0 = arith.muli %arg0, %mul3A : i32
    %add3A = arith.addi %mul3A_0, %arg1 : i32
    %broadcast_in_dim3A = arith.constant 0.000000e+00 : f32
    %broadcast_in_dim3A_1 = vector.broadcast %broadcast_in_dim3A : f32 to vector<16xf32>
    %scan3A = arith.constant 0 : i32
    %scan3A_2 = arith.constant 0 : i32
    %scan3A_3 = arith.constant 640 : i32
    %scan3A_4 = arith.addi %scan3A_2, %scan3A_3 : i32
    %scan3A_5 = arith.constant 1 : i32
    %scan3A_6 = scf.for %scan3A_22 = %scan3A_2 to %scan3A_4 step %scan3A_5 iter_args(%scan3A_23 = %scan3A) -> (i32)  : i32 {
      %mul3A_24 = arith.constant 16 : i32
      %mul3A_25 = arith.muli %scan3A_22, %mul3A_24 : i32
      %swap3A_26 = arith.index_cast %mul3A_25 : i32 to index
      %swap3A_27 = tpu.vector_load %arg5[%swap3A_26] {strides = array<i32>} : memref<10240xf32, #tpu.memory_space<vmem>>, vector<16xf32>,
      tpu.vector_store %arg5[%swap3A_26], %broadcast_in_dim3A_1 {strides = array<i32>} : memref<10240xf32, #tpu.memory_space<vmem>>, vector<16xf32>,
      %scan3A_28 = arith.constant 0 : i32
      scf.yield %scan3A_28 : i32
    }
    %scan3A_7 = arith.constant 640 : i32
    %broadcast_in_dim3A_8 = arith.constant 0 : i32
    %broadcast_in_dim3A_9 = vector.broadcast %broadcast_in_dim3A_8 : i32 to vector<16xi32>
    %swap3A = arith.constant 4992 : index
    %swap3A_10 = tpu.vector_load %arg4[%swap3A] {strides = array<i32>} : memref<5008xi32, #tpu.memory_space<vmem>>, vector<16xi32>,
    tpu.vector_store %arg4[%swap3A], %broadcast_in_dim3A_9 {strides = array<i32>} : memref<5008xi32, #tpu.memory_space<vmem>>, vector<16xi32>,
    %mul3A_11 = arith.constant 5000 : i32
    %mul3A_12 = arith.muli %add3A, %mul3A_11 : i32
    "tpu.region"() ({
      %run_scoped3A = tpu.sem_alloc : memref<!tpu.dma_semaphore, #tpu.memory_space<semaphore_mem>>
      %dma_start3A = arith.constant 0 : i32
      %dma_start3A_22 = tpu.memref_slice %arg4[%dma_start3A] : memref<5008xi32, #tpu.memory_space<vmem>> -> memref<5000xi32, #tpu.memory_space<vmem>>
      %dma_start3A_23 = tpu.memref_slice %arg2[%mul3A_12] : memref<160000xi32, #tpu.memory_space<hbm>> -> memref<5000xi32, #tpu.memory_space<hbm>>
      %dma_start3A_24 = arith.constant 0 : i32
      %dma_start3A_25 = tpu.memref_slice %arg4[%dma_start3A_24] : memref<5008xi32, #tpu.memory_space<vmem>> -> memref<5000xi32, #tpu.memory_space<vmem>>
      %dma_start3A_26 = tpu.memref_slice %arg2[%mul3A_12] : memref<160000xi32, #tpu.memory_space<hbm>> -> memref<5000xi32, #tpu.memory_space<hbm>>
      tpu.enqueue_dma source(%dma_start3A_26 : memref<5000xi32, #tpu.memory_space<hbm>>) target(%dma_start3A_25 : memref<5000xi32, #tpu.memory_space<vmem>>) target_semaphore(%run_scoped3A : memref<!tpu.dma_semaphore, #tpu.memory_space<semaphore_mem>>)
      %dma_wait3A = arith.constant 0 : i32
      %dma_wait3A_27 = tpu.memref_slice %arg4[%dma_wait3A] : memref<5008xi32, #tpu.memory_space<vmem>> -> memref<5000xi32, #tpu.memory_space<vmem>>
      %dma_wait3A_28 = tpu.memref_slice %arg2[%mul3A_12] : memref<160000xi32, #tpu.memory_space<hbm>> -> memref<5000xi32, #tpu.memory_space<hbm>>
      %dma_wait3A_29 = arith.constant 0 : i32
      %dma_wait3A_30 = tpu.memref_slice %arg4[%dma_wait3A_29] : memref<5008xi32, #tpu.memory_space<vmem>> -> memref<5000xi32, #tpu.memory_space<vmem>>
      %dma_wait3A_31 = tpu.memref_slice %arg2[%mul3A_12] : memref<160000xi32, #tpu.memory_space<hbm>> -> memref<5000xi32, #tpu.memory_space<hbm>>
      tpu.wait_dma2 semaphore(%run_scoped3A : memref<!tpu.dma_semaphore, #tpu.memory_space<semaphore_mem>>) src(%dma_wait3A_31 : memref<5000xi32, #tpu.memory_space<hbm>>) dst(%dma_wait3A_30 : memref<5000xi32, #tpu.memory_space<vmem>>)
      tpu.yield
    }) : () -> ()
    %broadcast_in_dim3A_13 = arith.constant 1.000000e+00 : f32
    %broadcast_in_dim3A_14 = vector.broadcast %broadcast_in_dim3A_13 : f32 to vector<16xf32>
    %iota3A = tpu.iota {dimensions = array<i32: 0>} : vector<16xi32>
    %scan3A_15 = arith.constant 0 : i32
    %scan3A_16 = arith.constant 0 : i32
    %scan3A_17 = arith.constant 313 : i32
    %scan3A_18 = arith.addi %scan3A_16, %scan3A_17 : i32
    %scan3A_19 = arith.constant 1 : i32
    %scan3A_20 = scf.for %scan3A_22 = %scan3A_16 to %scan3A_18 step %scan3A_19 iter_args(%scan3A_23 = %scan3A_15) -> (i32)  : i32 {
      %mul3A_24 = arith.constant 16 : i32
      %mul3A_25 = arith.muli %scan3A_22, %mul3A_24 : i32
      %get3A = arith.index_cast %mul3A_25 : i32 to index
      %get3A_26 = tpu.vector_load %arg4[%get3A] {strides = array<i32>} : memref<5008xi32, #tpu.memory_space<vmem>>, vector<16xi32>,
      %mul3A_27 = arith.constant 16 : i32
      %mul3A_28 = arith.muli %scan3A_22, %mul3A_27 : i32
      %add3A_29 = vector.broadcast %mul3A_28 : i32 to vector<16xi32>
      %add3A_30 = arith.addi %add3A_29, %iota3A : vector<16xi32>
      %lt3A = arith.constant 5000 : i32
      %lt3A_31 = vector.broadcast %lt3A : i32 to vector<16xi32>
      %lt3A_32 = arith.cmpi slt, %add3A_30, %lt3A_31 : vector<16xi32>
      tpu.vector_store_idx %arg5[%get3A_26], %broadcast_in_dim3A_14 masked %lt3A_32 {add = true} : memref<10240xf32, #tpu.memory_space<vmem>>[vector<16xi32>], vector<16xf32>, vector<16xi1>
      %scan3A_33 = arith.constant 0 : i32
      scf.yield %scan3A_33 : i32
    }
    %scan3A_21 = arith.constant 313 : i32
    "tpu.region"() ({
      %run_scoped3A = tpu.sem_alloc : memref<!tpu.dma_semaphore, #tpu.memory_space<semaphore_mem>>
      %dma_start3A = arith.constant 0 : i32
      %dma_start3A_22 = tpu.memref_slice %arg3[%add3A, %dma_start3A] : memref<32x10240xf32, #tpu.memory_space<hbm>> -> memref<1x10240xf32, #tpu.memory_space<hbm>>
      %dma_start3A_23 = tpu.memref_squeeze %dma_start3A_22 : memref<1x10240xf32, #tpu.memory_space<hbm>> -> memref<10240xf32, #tpu.memory_space<hbm>>
      %dma_start3A_24 = arith.constant 0 : i32
      %dma_start3A_25 = tpu.memref_slice %arg3[%add3A, %dma_start3A_24] : memref<32x10240xf32, #tpu.memory_space<hbm>> -> memref<1x10240xf32, #tpu.memory_space<hbm>>
      %dma_start3A_26 = tpu.memref_squeeze %dma_start3A_25 : memref<1x10240xf32, #tpu.memory_space<hbm>> -> memref<10240xf32, #tpu.memory_space<hbm>>
      tpu.enqueue_dma source(%arg5 : memref<10240xf32, #tpu.memory_space<vmem>>) target(%dma_start3A_26 : memref<10240xf32, #tpu.memory_space<hbm>>) target_semaphore(%run_scoped3A : memref<!tpu.dma_semaphore, #tpu.memory_space<semaphore_mem>>)
      %dma_wait3A = arith.constant 0 : i32
      %dma_wait3A_27 = tpu.memref_slice %arg3[%add3A, %dma_wait3A] : memref<32x10240xf32, #tpu.memory_space<hbm>> -> memref<1x10240xf32, #tpu.memory_space<hbm>>
      %dma_wait3A_28 = tpu.memref_squeeze %dma_wait3A_27 : memref<1x10240xf32, #tpu.memory_space<hbm>> -> memref<10240xf32, #tpu.memory_space<hbm>>
      %dma_wait3A_29 = arith.constant 0 : i32
      %dma_wait3A_30 = tpu.memref_slice %arg3[%add3A, %dma_wait3A_29] : memref<32x10240xf32, #tpu.memory_space<hbm>> -> memref<1x10240xf32, #tpu.memory_space<hbm>>
      %dma_wait3A_31 = tpu.memref_squeeze %dma_wait3A_30 : memref<1x10240xf32, #tpu.memory_space<hbm>> -> memref<10240xf32, #tpu.memory_space<hbm>>
      tpu.wait_dma2 semaphore(%run_scoped3A : memref<!tpu.dma_semaphore, #tpu.memory_space<semaphore_mem>>) src(%arg5 : memref<10240xf32, #tpu.memory_space<vmem>>) dst(%dma_wait3A_31 : memref<10240xf32, #tpu.memory_space<hbm>>)
      tpu.yield
    }) : () -> ()
    return
  }
}

#map = affine_map<(d0, d1) -> (0, 0)>
#map1 = affine_map<(d0, d1) -> (0, 0, 0)>
module attributes {stable_mosaic.version = 14 : i64} {
  func.func @_scatter_kernel(%arg0: i32, %arg1: i32, %arg2: memref<10240x128xf32, #tpu.memory_space<hbm>>, %arg3: memref<1280x128xi32, #tpu.memory_space<hbm>>, %arg4: memref<1280x128xi32, #tpu.memory_space<hbm>>, %arg5: memref<2x10240x128xf32, #tpu.memory_space<hbm>>, %arg6: memref<40x128xi32, #tpu.memory_space<vmem>>, %arg7: memref<40x128xi32, #tpu.memory_space<vmem>>, %arg8: memref<128x128xf32, #tpu.memory_space<vmem>>, %arg9: memref<128x128xf32, #tpu.memory_space<vmem>>, %arg10: memref<16x128xf32, #tpu.memory_space<vmem>>, %arg11: memref<10240x128xf32, #tpu.memory_space<vmem_shared>>, %arg12: memref<!tpu.dma_semaphore, #tpu.memory_space<semaphore_mem>>, %arg13: memref<!tpu.dma_semaphore, #tpu.memory_space<semaphore_mem>>) attributes {dimension_semantics = [#tpu.dimension_semantics<core_parallel>, #tpu.dimension_semantics<subcore_parallel>], iteration_bounds = array<i64: 2, 16>, scalar_prefetch = 0 : i64, scratch_operands = 8 : i64, tpu.core_type = #tpu.core_type<sc_vector_subcore>, window_params = [{transform_indices = #map}, {transform_indices = #map}, {transform_indices = #map}, {transform_indices = #map1}]} {
    %mul3A = arith.constant 16 : i32
    %mul3A_0 = arith.muli %arg0, %mul3A : i32
    %add3A = arith.addi %mul3A_0, %arg1 : i32
    %mul3A_1 = arith.constant 640 : i32
    %mul3A_2 = arith.muli %arg1, %mul3A_1 : i32
    %broadcast_in_dim3A = arith.constant 0.000000e+00 : f32
    %broadcast_in_dim3A_3 = vector.broadcast %broadcast_in_dim3A : f32 to vector<16xf32>
    "tpu.trace_start"() <{level = 10 : i32, message = "sc_zero"}> : () -> ()
    %scan3A = arith.constant 0 : i32
    %scan3A_4 = arith.constant 0 : i32
    %scan3A_5 = arith.constant 16 : i32
    %scan3A_6 = arith.addi %scan3A_4, %scan3A_5 : i32
    %scan3A_7 = arith.constant 1 : i32
    %scan3A_8 = scf.for %scan3A_35 = %scan3A_4 to %scan3A_6 step %scan3A_7 iter_args(%scan3A_36 = %scan3A) -> (i32)  : i32 {
      %swap3A = arith.index_cast %scan3A_35 : i32 to index
      %swap3A_37 = arith.constant 0 : index
      %swap3A_38 = tpu.vector_load %arg10[%swap3A, %swap3A_37] {strides = array<i32>} : memref<16x128xf32, #tpu.memory_space<vmem>>, vector<16xf32>,
      tpu.vector_store %arg10[%swap3A, %swap3A_37], %broadcast_in_dim3A_3 {strides = array<i32>} : memref<16x128xf32, #tpu.memory_space<vmem>>, vector<16xf32>,
      %swap3A_39 = arith.index_cast %scan3A_35 : i32 to index
      %swap3A_40 = arith.constant 16 : index
      %swap3A_41 = tpu.vector_load %arg10[%swap3A_39, %swap3A_40] {strides = array<i32>} : memref<16x128xf32, #tpu.memory_space<vmem>>, vector<16xf32>,
      tpu.vector_store %arg10[%swap3A_39, %swap3A_40], %broadcast_in_dim3A_3 {strides = array<i32>} : memref<16x128xf32, #tpu.memory_space<vmem>>, vector<16xf32>,
      %swap3A_42 = arith.index_cast %scan3A_35 : i32 to index
      %swap3A_43 = arith.constant 32 : index
      %swap3A_44 = tpu.vector_load %arg10[%swap3A_42, %swap3A_43] {strides = array<i32>} : memref<16x128xf32, #tpu.memory_space<vmem>>, vector<16xf32>,
      tpu.vector_store %arg10[%swap3A_42, %swap3A_43], %broadcast_in_dim3A_3 {strides = array<i32>} : memref<16x128xf32, #tpu.memory_space<vmem>>, vector<16xf32>,
      %swap3A_45 = arith.index_cast %scan3A_35 : i32 to index
      %swap3A_46 = arith.constant 48 : index
      %swap3A_47 = tpu.vector_load %arg10[%swap3A_45, %swap3A_46] {strides = array<i32>} : memref<16x128xf32, #tpu.memory_space<vmem>>, vector<16xf32>,
      tpu.vector_store %arg10[%swap3A_45, %swap3A_46], %broadcast_in_dim3A_3 {strides = array<i32>} : memref<16x128xf32, #tpu.memory_space<vmem>>, vector<16xf32>,
      %swap3A_48 = arith.index_cast %scan3A_35 : i32 to index
      %swap3A_49 = arith.constant 64 : index
      %swap3A_50 = tpu.vector_load %arg10[%swap3A_48, %swap3A_49] {strides = array<i32>} : memref<16x128xf32, #tpu.memory_space<vmem>>, vector<16xf32>,
      tpu.vector_store %arg10[%swap3A_48, %swap3A_49], %broadcast_in_dim3A_3 {strides = array<i32>} : memref<16x128xf32, #tpu.memory_space<vmem>>, vector<16xf32>,
      %swap3A_51 = arith.index_cast %scan3A_35 : i32 to index
      %swap3A_52 = arith.constant 80 : index
      %swap3A_53 = tpu.vector_load %arg10[%swap3A_51, %swap3A_52] {strides = array<i32>} : memref<16x128xf32, #tpu.memory_space<vmem>>, vector<16xf32>,
      tpu.vector_store %arg10[%swap3A_51, %swap3A_52], %broadcast_in_dim3A_3 {strides = array<i32>} : memref<16x128xf32, #tpu.memory_space<vmem>>, vector<16xf32>,
      %swap3A_54 = arith.index_cast %scan3A_35 : i32 to index
      %swap3A_55 = arith.constant 96 : index
      %swap3A_56 = tpu.vector_load %arg10[%swap3A_54, %swap3A_55] {strides = array<i32>} : memref<16x128xf32, #tpu.memory_space<vmem>>, vector<16xf32>,
      tpu.vector_store %arg10[%swap3A_54, %swap3A_55], %broadcast_in_dim3A_3 {strides = array<i32>} : memref<16x128xf32, #tpu.memory_space<vmem>>, vector<16xf32>,
      %swap3A_57 = arith.index_cast %scan3A_35 : i32 to index
      %swap3A_58 = arith.constant 112 : index
      %swap3A_59 = tpu.vector_load %arg10[%swap3A_57, %swap3A_58] {strides = array<i32>} : memref<16x128xf32, #tpu.memory_space<vmem>>, vector<16xf32>,
      tpu.vector_store %arg10[%swap3A_57, %swap3A_58], %broadcast_in_dim3A_3 {strides = array<i32>} : memref<16x128xf32, #tpu.memory_space<vmem>>, vector<16xf32>,
      %scan3A_60 = arith.constant 0 : i32
      scf.yield %scan3A_60 : i32
    }
    %scan3A_9 = arith.constant 16 : i32
    %scan3A_10 = arith.constant 0 : i32
    %scan3A_11 = arith.constant 0 : i32
    %scan3A_12 = arith.constant 40 : i32
    %scan3A_13 = arith.addi %scan3A_11, %scan3A_12 : i32
    %scan3A_14 = arith.constant 1 : i32
    %scan3A_15 = scf.for %scan3A_35 = %scan3A_11 to %scan3A_13 step %scan3A_14 iter_args(%scan3A_36 = %scan3A_10) -> (i32)  : i32 {
      %mul3A_37 = arith.constant 16 : i32
      %mul3A_38 = arith.muli %scan3A_35, %mul3A_37 : i32
      %add3A_39 = arith.addi %mul3A_2, %mul3A_38 : i32
      "tpu.region"() ({
        %run_scoped3A = tpu.sem_alloc : memref<!tpu.dma_semaphore, #tpu.memory_space<semaphore_mem>>
        %dma_start3A_41 = arith.constant 0 : i32
        %dma_start3A_42 = tpu.memref_slice %arg11[%add3A_39, %dma_start3A_41] : memref<10240x128xf32, #tpu.memory_space<vmem_shared>> -> memref<16x128xf32, #tpu.memory_space<vmem_shared>>
        %dma_start3A_43 = arith.constant 0 : i32
        %dma_start3A_44 = tpu.memref_slice %arg11[%add3A_39, %dma_start3A_43] : memref<10240x128xf32, #tpu.memory_space<vmem_shared>> -> memref<16x128xf32, #tpu.memory_space<vmem_shared>>
        tpu.enqueue_dma source(%arg10 : memref<16x128xf32, #tpu.memory_space<vmem>>) target(%dma_start3A_44 : memref<16x128xf32, #tpu.memory_space<vmem_shared>>) target_semaphore(%run_scoped3A : memref<!tpu.dma_semaphore, #tpu.memory_space<semaphore_mem>>)
        %dma_wait3A = arith.constant 0 : i32
        %dma_wait3A_45 = tpu.memref_slice %arg11[%add3A_39, %dma_wait3A] : memref<10240x128xf32, #tpu.memory_space<vmem_shared>> -> memref<16x128xf32, #tpu.memory_space<vmem_shared>>
        %dma_wait3A_46 = arith.constant 0 : i32
        %dma_wait3A_47 = tpu.memref_slice %arg11[%add3A_39, %dma_wait3A_46] : memref<10240x128xf32, #tpu.memory_space<vmem_shared>> -> memref<16x128xf32, #tpu.memory_space<vmem_shared>>
        tpu.wait_dma2 semaphore(%run_scoped3A : memref<!tpu.dma_semaphore, #tpu.memory_space<semaphore_mem>>) src(%arg10 : memref<16x128xf32, #tpu.memory_space<vmem>>) dst(%dma_wait3A_47 : memref<16x128xf32, #tpu.memory_space<vmem_shared>>)
        tpu.yield
      }) : () -> ()
      %scan3A_40 = arith.constant 0 : i32
      scf.yield %scan3A_40 : i32
    }
    %scan3A_16 = arith.constant 40 : i32
    "tpu.trace_stop"() : () -> ()
    "tpu.trace_start"() <{level = 10 : i32, message = "sc_idx"}> : () -> ()
    %mul3A_17 = arith.constant 40 : i32
    %mul3A_18 = arith.muli %add3A, %mul3A_17 : i32
    "tpu.region"() ({
      %run_scoped3A = tpu.sem_alloc : memref<!tpu.dma_semaphore, #tpu.memory_space<semaphore_mem>>
      %dma_start3A_35 = arith.constant 0 : i32
      %dma_start3A_36 = tpu.memref_slice %arg3[%mul3A_18, %dma_start3A_35] : memref<1280x128xi32, #tpu.memory_space<hbm>> -> memref<40x128xi32, #tpu.memory_space<hbm>>
      %dma_start3A_37 = arith.constant 0 : i32
      %dma_start3A_38 = tpu.memref_slice %arg3[%mul3A_18, %dma_start3A_37] : memref<1280x128xi32, #tpu.memory_space<hbm>> -> memref<40x128xi32, #tpu.memory_space<hbm>>
      tpu.enqueue_dma source(%dma_start3A_38 : memref<40x128xi32, #tpu.memory_space<hbm>>) target(%arg6 : memref<40x128xi32, #tpu.memory_space<vmem>>) target_semaphore(%run_scoped3A : memref<!tpu.dma_semaphore, #tpu.memory_space<semaphore_mem>>)
      %dma_wait3A = arith.constant 0 : i32
      %dma_wait3A_39 = tpu.memref_slice %arg3[%mul3A_18, %dma_wait3A] : memref<1280x128xi32, #tpu.memory_space<hbm>> -> memref<40x128xi32, #tpu.memory_space<hbm>>
      %dma_wait3A_40 = arith.constant 0 : i32
      %dma_wait3A_41 = tpu.memref_slice %arg3[%mul3A_18, %dma_wait3A_40] : memref<1280x128xi32, #tpu.memory_space<hbm>> -> memref<40x128xi32, #tpu.memory_space<hbm>>
      tpu.wait_dma2 semaphore(%run_scoped3A : memref<!tpu.dma_semaphore, #tpu.memory_space<semaphore_mem>>) src(%dma_wait3A_41 : memref<40x128xi32, #tpu.memory_space<hbm>>) dst(%arg6 : memref<40x128xi32, #tpu.memory_space<vmem>>)
      tpu.yield
    }) : () -> ()
    %mul3A_19 = arith.constant 40 : i32
    %mul3A_20 = arith.muli %add3A, %mul3A_19 : i32
    "tpu.region"() ({
      %run_scoped3A = tpu.sem_alloc : memref<!tpu.dma_semaphore, #tpu.memory_space<semaphore_mem>>
      %dma_start3A_35 = arith.constant 0 : i32
      %dma_start3A_36 = tpu.memref_slice %arg4[%mul3A_20, %dma_start3A_35] : memref<1280x128xi32, #tpu.memory_space<hbm>> -> memref<40x128xi32, #tpu.memory_space<hbm>>
      %dma_start3A_37 = arith.constant 0 : i32
      %dma_start3A_38 = tpu.memref_slice %arg4[%mul3A_20, %dma_start3A_37] : memref<1280x128xi32, #tpu.memory_space<hbm>> -> memref<40x128xi32, #tpu.memory_space<hbm>>
      tpu.enqueue_dma source(%dma_start3A_38 : memref<40x128xi32, #tpu.memory_space<hbm>>) target(%arg7 : memref<40x128xi32, #tpu.memory_space<vmem>>) target_semaphore(%run_scoped3A : memref<!tpu.dma_semaphore, #tpu.memory_space<semaphore_mem>>)
      %dma_wait3A = arith.constant 0 : i32
      %dma_wait3A_39 = tpu.memref_slice %arg4[%mul3A_20, %dma_wait3A] : memref<1280x128xi32, #tpu.memory_space<hbm>> -> memref<40x128xi32, #tpu.memory_space<hbm>>
      %dma_wait3A_40 = arith.constant 0 : i32
      %dma_wait3A_41 = tpu.memref_slice %arg4[%mul3A_20, %dma_wait3A_40] : memref<1280x128xi32, #tpu.memory_space<hbm>> -> memref<40x128xi32, #tpu.memory_space<hbm>>
      tpu.wait_dma2 semaphore(%run_scoped3A : memref<!tpu.dma_semaphore, #tpu.memory_space<semaphore_mem>>) src(%dma_wait3A_41 : memref<40x128xi32, #tpu.memory_space<hbm>>) dst(%arg7 : memref<40x128xi32, #tpu.memory_space<vmem>>)
      tpu.yield
    }) : () -> ()
    %barrier3A = arith.constant 0 : index
    tpu.barrier barrier_id(%barrier3A)
    %dma_start3A = arith.constant 0 : i32
    "tpu.trace_stop"() : () -> ()
    "tpu.trace_start"() <{level = 10 : i32, message = "sc_edges"}> : () -> ()
    %dma_start3A_21 = arith.constant 0 : i32
    %dma_start3A_22 = tpu.memref_slice %arg6[%dma_start3A, %dma_start3A_21] : memref<40x128xi32, #tpu.memory_space<vmem>> -> memref<1x128xi32, #tpu.memory_space<vmem>>
    %dma_start3A_23 = tpu.memref_squeeze %dma_start3A_22 : memref<1x128xi32, #tpu.memory_space<vmem>> -> memref<128xi32, #tpu.memory_space<vmem>>
    %dma_start3A_24 = arith.constant 0 : i32
    %dma_start3A_25 = arith.constant 0 : i32
    %dma_start3A_26 = tpu.memref_slice %arg2[%dma_start3A_24, %dma_start3A_25] : memref<10240x128xf32, #tpu.memory_space<hbm>> -> memref<10240x128xf32, #tpu.memory_space<hbm>>
    tpu.enqueue_indirect_dma source(%dma_start3A_26 : memref<10240x128xf32, #tpu.memory_space<hbm>>) target(%arg8 : memref<128x128xf32, #tpu.memory_space<vmem>>) offsets(%dma_start3A_23 : memref<128xi32, #tpu.memory_space<vmem>>) semaphore(%arg12 : memref<!tpu.dma_semaphore, #tpu.memory_space<semaphore_mem>>)
    %scan3A_27 = arith.constant 0 : i32
    %scan3A_28 = arith.constant 0 : i32
    %scan3A_29 = arith.constant 20 : i32
    %scan3A_30 = arith.addi %scan3A_28, %scan3A_29 : i32
    %scan3A_31 = arith.constant 1 : i32
    %scan3A_32 = scf.for %scan3A_35 = %scan3A_28 to %scan3A_30 step %scan3A_31 iter_args(%scan3A_36 = %scan3A_27) -> (i32)  : i32 {
      %mul3A_37 = arith.constant 2 : i32
      %mul3A_38 = arith.muli %mul3A_37, %scan3A_35 : i32
      %add3A_39 = arith.constant 1 : i32
      %add3A_40 = arith.addi %mul3A_38, %add3A_39 : i32
      %dma_start3A_41 = arith.constant 0 : i32
      %dma_start3A_42 = tpu.memref_slice %arg6[%add3A_40, %dma_start3A_41] : memref<40x128xi32, #tpu.memory_space<vmem>> -> memref<1x128xi32, #tpu.memory_space<vmem>>
      %dma_start3A_43 = tpu.memref_squeeze %dma_start3A_42 : memref<1x128xi32, #tpu.memory_space<vmem>> -> memref<128xi32, #tpu.memory_space<vmem>>
      %dma_start3A_44 = arith.constant 0 : i32
      %dma_start3A_45 = arith.constant 0 : i32
      %dma_start3A_46 = tpu.memref_slice %arg2[%dma_start3A_44, %dma_start3A_45] : memref<10240x128xf32, #tpu.memory_space<hbm>> -> memref<10240x128xf32, #tpu.memory_space<hbm>>
      tpu.enqueue_indirect_dma source(%dma_start3A_46 : memref<10240x128xf32, #tpu.memory_space<hbm>>) target(%arg9 : memref<128x128xf32, #tpu.memory_space<vmem>>) offsets(%dma_start3A_43 : memref<128xi32, #tpu.memory_space<vmem>>) semaphore(%arg13 : memref<!tpu.dma_semaphore, #tpu.memory_space<semaphore_mem>>)
      %dma_wait3A = arith.constant 0 : i32
      %dma_wait3A_47 = tpu.memref_slice %arg6[%mul3A_38, %dma_wait3A] : memref<40x128xi32, #tpu.memory_space<vmem>> -> memref<1x128xi32, #tpu.memory_space<vmem>>
      %dma_wait3A_48 = tpu.memref_squeeze %dma_wait3A_47 : memref<1x128xi32, #tpu.memory_space<vmem>> -> memref<128xi32, #tpu.memory_space<vmem>>
      %dma_wait3A_49 = arith.constant 0 : i32
      %dma_wait3A_50 = arith.constant 0 : i32
      %dma_wait3A_51 = tpu.memref_slice %arg2[%dma_wait3A_49, %dma_wait3A_50] : memref<10240x128xf32, #tpu.memory_space<hbm>> -> memref<10240x128xf32, #tpu.memory_space<hbm>>
      tpu.wait_indirect_dma semaphore(%arg12 : memref<!tpu.dma_semaphore, #tpu.memory_space<semaphore_mem>>) src(%dma_wait3A_51 : memref<10240x128xf32, #tpu.memory_space<hbm>>) dst(%arg8 : memref<128x128xf32, #tpu.memory_space<vmem>>)
      "tpu.region"() ({
        %run_scoped3A = tpu.sem_alloc : memref<!tpu.dma_semaphore, #tpu.memory_space<semaphore_mem>>
        %dma_start3A_67 = arith.constant 0 : i32
        %dma_start3A_68 = tpu.memref_slice %arg7[%mul3A_38, %dma_start3A_67] : memref<40x128xi32, #tpu.memory_space<vmem>> -> memref<1x128xi32, #tpu.memory_space<vmem>>
        %dma_start3A_69 = tpu.memref_squeeze %dma_start3A_68 : memref<1x128xi32, #tpu.memory_space<vmem>> -> memref<128xi32, #tpu.memory_space<vmem>>
        %dma_start3A_70 = arith.constant 0 : i32
        %dma_start3A_71 = arith.constant 0 : i32
        %dma_start3A_72 = tpu.memref_slice %arg11[%dma_start3A_70, %dma_start3A_71] : memref<10240x128xf32, #tpu.memory_space<vmem_shared>> -> memref<10240x128xf32, #tpu.memory_space<vmem_shared>>
        tpu.enqueue_indirect_dma source(%arg8 : memref<128x128xf32, #tpu.memory_space<vmem>>) target(%dma_start3A_72 : memref<10240x128xf32, #tpu.memory_space<vmem_shared>>) offsets(%dma_start3A_69 : memref<128xi32, #tpu.memory_space<vmem>>) semaphore(%run_scoped3A : memref<!tpu.dma_semaphore, #tpu.memory_space<semaphore_mem>>) {add = true}
        %dma_wait3A_73 = arith.constant 0 : i32
        %dma_wait3A_74 = tpu.memref_slice %arg7[%mul3A_38, %dma_wait3A_73] : memref<40x128xi32, #tpu.memory_space<vmem>> -> memref<1x128xi32, #tpu.memory_space<vmem>>
        %dma_wait3A_75 = tpu.memref_squeeze %dma_wait3A_74 : memref<1x128xi32, #tpu.memory_space<vmem>> -> memref<128xi32, #tpu.memory_space<vmem>>
        %dma_wait3A_76 = arith.constant 0 : i32
        %dma_wait3A_77 = arith.constant 0 : i32
        %dma_wait3A_78 = tpu.memref_slice %arg11[%dma_wait3A_76, %dma_wait3A_77] : memref<10240x128xf32, #tpu.memory_space<vmem_shared>> -> memref<10240x128xf32, #tpu.memory_space<vmem_shared>>
        tpu.wait_indirect_dma semaphore(%run_scoped3A : memref<!tpu.dma_semaphore, #tpu.memory_space<semaphore_mem>>) src(%arg8 : memref<128x128xf32, #tpu.memory_space<vmem>>) dst(%dma_wait3A_78 : memref<10240x128xf32, #tpu.memory_space<vmem_shared>>)
        tpu.yield
      }) : () -> ()
      %add3A_52 = arith.constant 1 : i32
      %add3A_53 = arith.addi %scan3A_35, %add3A_52 : i32
      %lt3A = arith.constant 20 : i32
      %lt3A_54 = arith.cmpi slt, %add3A_53, %lt3A : i32
      %convert_element_type3A = arith.extui %lt3A_54 : i1 to i32
      %cond3A = arith.constant 0 : i32
      %cond3A_55 = arith.cmpi ne, %convert_element_type3A, %cond3A : i32
      scf.if %cond3A_55 {
        %add3A_67 = arith.constant 2 : i32
        %add3A_68 = arith.addi %mul3A_38, %add3A_67 : i32
        %dma_start3A_69 = arith.constant 0 : i32
        %dma_start3A_70 = tpu.memref_slice %arg6[%add3A_68, %dma_start3A_69] : memref<40x128xi32, #tpu.memory_space<vmem>> -> memref<1x128xi32, #tpu.memory_space<vmem>>
        %dma_start3A_71 = tpu.memref_squeeze %dma_start3A_70 : memref<1x128xi32, #tpu.memory_space<vmem>> -> memref<128xi32, #tpu.memory_space<vmem>>
        %dma_start3A_72 = arith.constant 0 : i32
        %dma_start3A_73 = arith.constant 0 : i32
        %dma_start3A_74 = tpu.memref_slice %arg2[%dma_start3A_72, %dma_start3A_73] : memref<10240x128xf32, #tpu.memory_space<hbm>> -> memref<10240x128xf32, #tpu.memory_space<hbm>>
        tpu.enqueue_indirect_dma source(%dma_start3A_74 : memref<10240x128xf32, #tpu.memory_space<hbm>>) target(%arg8 : memref<128x128xf32, #tpu.memory_space<vmem>>) offsets(%dma_start3A_71 : memref<128xi32, #tpu.memory_space<vmem>>) semaphore(%arg12 : memref<!tpu.dma_semaphore, #tpu.memory_space<semaphore_mem>>)
      } else {
      }
      %add3A_56 = arith.constant 1 : i32
      %add3A_57 = arith.addi %mul3A_38, %add3A_56 : i32
      %dma_wait3A_58 = arith.constant 0 : i32
      %dma_wait3A_59 = tpu.memref_slice %arg6[%add3A_57, %dma_wait3A_58] : memref<40x128xi32, #tpu.memory_space<vmem>> -> memref<1x128xi32, #tpu.memory_space<vmem>>
      %dma_wait3A_60 = tpu.memref_squeeze %dma_wait3A_59 : memref<1x128xi32, #tpu.memory_space<vmem>> -> memref<128xi32, #tpu.memory_space<vmem>>
      %dma_wait3A_61 = arith.constant 0 : i32
      %dma_wait3A_62 = arith.constant 0 : i32
      %dma_wait3A_63 = tpu.memref_slice %arg2[%dma_wait3A_61, %dma_wait3A_62] : memref<10240x128xf32, #tpu.memory_space<hbm>> -> memref<10240x128xf32, #tpu.memory_space<hbm>>
      tpu.wait_indirect_dma semaphore(%arg13 : memref<!tpu.dma_semaphore, #tpu.memory_space<semaphore_mem>>) src(%dma_wait3A_63 : memref<10240x128xf32, #tpu.memory_space<hbm>>) dst(%arg9 : memref<128x128xf32, #tpu.memory_space<vmem>>)
      %add3A_64 = arith.constant 1 : i32
      %add3A_65 = arith.addi %mul3A_38, %add3A_64 : i32
      "tpu.region"() ({
        %run_scoped3A = tpu.sem_alloc : memref<!tpu.dma_semaphore, #tpu.memory_space<semaphore_mem>>
        %dma_start3A_67 = arith.constant 0 : i32
        %dma_start3A_68 = tpu.memref_slice %arg7[%add3A_65, %dma_start3A_67] : memref<40x128xi32, #tpu.memory_space<vmem>> -> memref<1x128xi32, #tpu.memory_space<vmem>>
        %dma_start3A_69 = tpu.memref_squeeze %dma_start3A_68 : memref<1x128xi32, #tpu.memory_space<vmem>> -> memref<128xi32, #tpu.memory_space<vmem>>
        %dma_start3A_70 = arith.constant 0 : i32
        %dma_start3A_71 = arith.constant 0 : i32
        %dma_start3A_72 = tpu.memref_slice %arg11[%dma_start3A_70, %dma_start3A_71] : memref<10240x128xf32, #tpu.memory_space<vmem_shared>> -> memref<10240x128xf32, #tpu.memory_space<vmem_shared>>
        tpu.enqueue_indirect_dma source(%arg9 : memref<128x128xf32, #tpu.memory_space<vmem>>) target(%dma_start3A_72 : memref<10240x128xf32, #tpu.memory_space<vmem_shared>>) offsets(%dma_start3A_69 : memref<128xi32, #tpu.memory_space<vmem>>) semaphore(%run_scoped3A : memref<!tpu.dma_semaphore, #tpu.memory_space<semaphore_mem>>) {add = true}
        %dma_wait3A_73 = arith.constant 0 : i32
        %dma_wait3A_74 = tpu.memref_slice %arg7[%add3A_65, %dma_wait3A_73] : memref<40x128xi32, #tpu.memory_space<vmem>> -> memref<1x128xi32, #tpu.memory_space<vmem>>
        %dma_wait3A_75 = tpu.memref_squeeze %dma_wait3A_74 : memref<1x128xi32, #tpu.memory_space<vmem>> -> memref<128xi32, #tpu.memory_space<vmem>>
        %dma_wait3A_76 = arith.constant 0 : i32
        %dma_wait3A_77 = arith.constant 0 : i32
        %dma_wait3A_78 = tpu.memref_slice %arg11[%dma_wait3A_76, %dma_wait3A_77] : memref<10240x128xf32, #tpu.memory_space<vmem_shared>> -> memref<10240x128xf32, #tpu.memory_space<vmem_shared>>
        tpu.wait_indirect_dma semaphore(%run_scoped3A : memref<!tpu.dma_semaphore, #tpu.memory_space<semaphore_mem>>) src(%arg9 : memref<128x128xf32, #tpu.memory_space<vmem>>) dst(%dma_wait3A_78 : memref<10240x128xf32, #tpu.memory_space<vmem_shared>>)
        tpu.yield
      }) : () -> ()
      %scan3A_66 = arith.constant 0 : i32
      scf.yield %scan3A_66 : i32
    }
    %scan3A_33 = arith.constant 20 : i32
    %barrier3A_34 = arith.constant 0 : index
    tpu.barrier barrier_id(%barrier3A_34)
    "tpu.trace_stop"() : () -> ()
    "tpu.trace_start"() <{level = 10 : i32, message = "sc_writeback"}> : () -> ()
    "tpu.region"() ({
      %run_scoped3A = tpu.sem_alloc : memref<!tpu.dma_semaphore, #tpu.memory_space<semaphore_mem>>
      %dma_start3A_35 = arith.constant 0 : i32
      %dma_start3A_36 = tpu.memref_slice %arg5[%arg0, %mul3A_2, %dma_start3A_35] : memref<2x10240x128xf32, #tpu.memory_space<hbm>> -> memref<1x640x128xf32, #tpu.memory_space<hbm>>
      %dma_start3A_37 = tpu.memref_squeeze %dma_start3A_36 : memref<1x640x128xf32, #tpu.memory_space<hbm>> -> memref<640x128xf32, #tpu.memory_space<hbm>>
      %dma_start3A_38 = arith.constant 0 : i32
      %dma_start3A_39 = tpu.memref_slice %arg11[%mul3A_2, %dma_start3A_38] : memref<10240x128xf32, #tpu.memory_space<vmem_shared>> -> memref<640x128xf32, #tpu.memory_space<vmem_shared>>
      tpu.enqueue_dma source(%dma_start3A_39 : memref<640x128xf32, #tpu.memory_space<vmem_shared>>) target(%dma_start3A_37 : memref<640x128xf32, #tpu.memory_space<hbm>>) target_semaphore(%run_scoped3A : memref<!tpu.dma_semaphore, #tpu.memory_space<semaphore_mem>>)
      %dma_wait3A = arith.constant 0 : i32
      %dma_wait3A_40 = tpu.memref_slice %arg5[%arg0, %mul3A_2, %dma_wait3A] : memref<2x10240x128xf32, #tpu.memory_space<hbm>> -> memref<1x640x128xf32, #tpu.memory_space<hbm>>
      %dma_wait3A_41 = tpu.memref_squeeze %dma_wait3A_40 : memref<1x640x128xf32, #tpu.memory_space<hbm>> -> memref<640x128xf32, #tpu.memory_space<hbm>>
      %dma_wait3A_42 = arith.constant 0 : i32
      %dma_wait3A_43 = tpu.memref_slice %arg11[%mul3A_2, %dma_wait3A_42] : memref<10240x128xf32, #tpu.memory_space<vmem_shared>> -> memref<640x128xf32, #tpu.memory_space<vmem_shared>>
      tpu.wait_dma2 semaphore(%run_scoped3A : memref<!tpu.dma_semaphore, #tpu.memory_space<semaphore_mem>>) src(%dma_wait3A_43 : memref<640x128xf32, #tpu.memory_space<vmem_shared>>) dst(%dma_wait3A_41 : memref<640x128xf32, #tpu.memory_space<hbm>>)
      tpu.yield
    }) : () -> ()
    "tpu.trace_stop"() : () -> ()
    return
  }
}

module attributes {stable_mosaic.version = 14 : i64} {
  func.func @_g_kernel(%arg0: i32, %arg1: memref<1024x256xf32, #tpu.memory_space<vmem>>, %arg2: memref<256x128xf32, #tpu.memory_space<vmem>>, %arg3: memref<32x1024xf32, #tpu.memory_space<vmem>>, %arg4: memref<32x1xf32, #tpu.memory_space<vmem>>, %arg5: memref<1024x128xf32, #tpu.memory_space<vmem>>, %arg6: memref<1024x1xf32, #tpu.memory_space<vmem>>) attributes {dimension_semantics = [#tpu.dimension_semantics<arbitrary>], iteration_bounds = array<i64: 10>, scalar_prefetch = 0 : i64, scratch_operands = 0 : i64, tpu.core_type = #tpu.core_type<tc>, window_params = [{transform_indices = @transform_0, window_bounds = array<i64: 1024, 256>}, {pipeline_mode = #tpu.pipeline_mode<synchronous>, transform_indices = @transform_1, window_bounds = array<i64: 256, 128>}, {transform_indices = @transform_2, window_bounds = array<i64: 32, 1024>}, {pipeline_mode = #tpu.pipeline_mode<synchronous>, transform_indices = @transform_3, window_bounds = array<i64: 32, 1>}, {transform_indices = @transform_4, window_bounds = array<i64: 1024, 128>}, {transform_indices = @transform_5, window_bounds = array<i64: 1024, 1>}]} {
    %get3A = arith.constant 0 : index
    %get3A_0 = arith.constant 0 : index
    %get3A_1 = vector.load %arg1[%get3A, %get3A_0] : memref<1024x256xf32, #tpu.memory_space<vmem>>, vector<1024x256xf32>
    %get3A_2 = arith.constant 0 : index
    %get3A_3 = arith.constant 0 : index
    %get3A_4 = vector.load %arg2[%get3A_2, %get3A_3] : memref<256x128xf32, #tpu.memory_space<vmem>>, vector<256x128xf32>
    %dot_general3A = arith.constant dense<0.000000e+00> : vector<1024x128xf32>
    %dot_general3A_5 = tpu.matmul %get3A_1, %get3A_4, %dot_general3A {dimension_numbers = #tpu.dot_dimension_numbers<[1], [0], [0], [1], [0, 0, 1, 1], [], []>, transpose_lhs_hint = false} : vector<1024x256xf32>, vector<256x128xf32>, vector<1024x128xf32> -> vector<1024x128xf32>
    %get3A_6 = arith.constant 0 : index
    %get3A_7 = arith.constant 0 : index
    %get3A_8 = vector.load %arg3[%get3A_6, %get3A_7] : memref<32x1024xf32, #tpu.memory_space<vmem>>, vector<32x1024xf32>
    %get3A_9 = arith.constant 0 : index
    %get3A_10 = arith.constant 0 : index
    %get3A_11 = vector.load %arg4[%get3A_9, %get3A_10] : memref<32x1xf32, #tpu.memory_space<vmem>>, vector<32x1xf32>
    %dot_general3A_12 = arith.constant dense<0.000000e+00> : vector<1024x1xf32>
    %dot_general3A_13 = tpu.matmul %get3A_8, %get3A_11, %dot_general3A_12 {dimension_numbers = #tpu.dot_dimension_numbers<[0], [0], [1], [1], [0, 1, 1, 1], [], []>, transpose_lhs_hint = false} : vector<32x1024xf32>, vector<32x1xf32>, vector<1024x1xf32> -> vector<1024x1xf32>
    %add3A = arith.constant 1.000000e+00 : f32
    %add3A_14 = vector.broadcast %add3A : f32 to vector<1024x1xf32>
    %add3A_15 = arith.addf %dot_general3A_13, %add3A_14 : vector<1024x1xf32>
    %rsqrt3A = math.rsqrt %add3A_15 : vector<1024x1xf32>
    %mul3A = vector.broadcast %rsqrt3A : vector<1024x1xf32> to vector<1024x128xf32>
    %mul3A_16 = arith.mulf %dot_general3A_5, %mul3A : vector<1024x128xf32>
    %swap3A = arith.constant 0 : index
    %swap3A_17 = arith.constant 0 : index
    %swap3A_18 = vector.load %arg5[%swap3A, %swap3A_17] : memref<1024x128xf32, #tpu.memory_space<vmem>>, vector<1024x128xf32>
    tpu.vector_store %arg5[%swap3A, %swap3A_17], %mul3A_16 {strides = array<i32>} : memref<1024x128xf32, #tpu.memory_space<vmem>>, vector<1024x128xf32>,
    %swap3A_19 = arith.constant 0 : index
    %swap3A_20 = arith.constant 0 : index
    %swap3A_21 = vector.load %arg6[%swap3A_19, %swap3A_20] : memref<1024x1xf32, #tpu.memory_space<vmem>>, vector<1024x1xf32>
    tpu.vector_store %arg6[%swap3A_19, %swap3A_20], %rsqrt3A {strides = array<i32>} : memref<1024x1xf32, #tpu.memory_space<vmem>>, vector<1024x1xf32>,
    return
  }
  func.func @transform_0(%arg0: i32) -> (i32, i32) {
    %c0_i32 = arith.constant 0 : i32
    %c0_i32_0 = arith.constant 0 : i32
    return %arg0, %c0_i32 : i32, i32
  }
  func.func @transform_1(%arg0: i32) -> (i32, i32) {
    %c0_i32 = arith.constant 0 : i32
    %c0_i32_0 = arith.constant 0 : i32
    %c0_i32_1 = arith.constant 0 : i32
    return %c0_i32, %c0_i32_0 : i32, i32
  }
  func.func @transform_2(%arg0: i32) -> (i32, i32) {
    %c0_i32 = arith.constant 0 : i32
    %c0_i32_0 = arith.constant 0 : i32
    return %c0_i32, %arg0 : i32, i32
  }
  func.func @transform_3(%arg0: i32) -> (i32, i32) {
    %c0_i32 = arith.constant 0 : i32
    %c0_i32_0 = arith.constant 0 : i32
    %c0_i32_1 = arith.constant 0 : i32
    return %c0_i32, %c0_i32_0 : i32, i32
  }
  func.func @transform_4(%arg0: i32) -> (i32, i32) {
    %c0_i32 = arith.constant 0 : i32
    %c0_i32_0 = arith.constant 0 : i32
    return %arg0, %c0_i32 : i32, i32
  }
  func.func @transform_5(%arg0: i32) -> (i32, i32) {
    %c0_i32 = arith.constant 0 : i32
    %c0_i32_0 = arith.constant 0 : i32
    return %arg0, %c0_i32 : i32, i32
  }
}

module attributes {stable_mosaic.version = 14 : i64} {
  func.func @_pool_kernel(%arg0: i32, %arg1: memref<1x512x128xf32, #tpu.memory_space<vmem>>, %arg2: memref<1x512x128xf32, #tpu.memory_space<vmem>>, %arg3: memref<512x128xf32, #tpu.memory_space<vmem>>, %arg4: memref<512x1xf32, #tpu.memory_space<vmem>>, %arg5: memref<128xf32, #tpu.memory_space<vmem>>, %arg6: memref<512x1xi32, #tpu.memory_space<vmem>>, %arg7: memref<512xi32, #tpu.memory_space<smem>>, %arg8: memref<64x128xf32, #tpu.memory_space<vmem>>, %arg9: memref<64xi32, #tpu.memory_space<vmem>>, %arg10: memref<64x128xf32, #tpu.memory_space<vmem>>, %arg11: memref<64x128xf32, #tpu.memory_space<vmem>>, %arg12: memref<64xi32, #tpu.memory_space<vmem>>, %arg13: memref<2xi32, #tpu.memory_space<smem>>) attributes {dimension_semantics = [#tpu.dimension_semantics<arbitrary>], iteration_bounds = array<i64: 20>, scalar_prefetch = 0 : i64, scratch_operands = 4 : i64, tpu.core_type = #tpu.core_type<tc>, window_params = [{transform_indices = @transform_0, window_bounds = array<i64: 1, 512, 128>}, {transform_indices = @transform_1, window_bounds = array<i64: 1, 512, 128>}, {transform_indices = @transform_2, window_bounds = array<i64: 512, 128>}, {transform_indices = @transform_3, window_bounds = array<i64: 512, 1>}, {pipeline_mode = #tpu.pipeline_mode<synchronous>, transform_indices = @transform_4, window_bounds = array<i64: 128>}, {transform_indices = @transform_5, window_bounds = array<i64: 512, 1>}, {transform_indices = @transform_6, window_bounds = array<i64: 512>}, {pipeline_mode = #tpu.pipeline_mode<synchronous>, transform_indices = @transform_7, window_bounds = array<i64: 64, 128>}, {pipeline_mode = #tpu.pipeline_mode<synchronous>, transform_indices = @transform_8, window_bounds = array<i64: 64>}]} {
    %eq3A = arith.constant 0 : i32
    %eq3A_0 = arith.cmpi eq, %arg0, %eq3A : i32
    %convert_element_type3A = arith.extui %eq3A_0 : i1 to i32
    %cond3A = arith.constant 0 : i32
    %cond3A_1 = arith.cmpi ne, %convert_element_type3A, %cond3A : i32
    scf.if %cond3A_1 {
      %broadcast_in_dim3A_163 = arith.constant 0.000000e+00 : f32
      %broadcast_in_dim3A_164 = vector.broadcast %broadcast_in_dim3A_163 : f32 to vector<64x128xf32>
      %swap3A_165 = arith.constant 0 : index
      %swap3A_166 = arith.constant 0 : index
      %swap3A_167 = vector.load %arg10[%swap3A_165, %swap3A_166] : memref<64x128xf32, #tpu.memory_space<vmem>>, vector<64x128xf32>
      tpu.vector_store %arg10[%swap3A_165, %swap3A_166], %broadcast_in_dim3A_164 {strides = array<i32>} : memref<64x128xf32, #tpu.memory_space<vmem>>, vector<64x128xf32>,
      %broadcast_in_dim3A_168 = arith.constant 0xFF800000 : f32
      %broadcast_in_dim3A_169 = vector.broadcast %broadcast_in_dim3A_168 : f32 to vector<64x128xf32>
      %swap3A_170 = arith.constant 0 : index
      %swap3A_171 = arith.constant 0 : index
      %swap3A_172 = vector.load %arg11[%swap3A_170, %swap3A_171] : memref<64x128xf32, #tpu.memory_space<vmem>>, vector<64x128xf32>
      tpu.vector_store %arg11[%swap3A_170, %swap3A_171], %broadcast_in_dim3A_169 {strides = array<i32>} : memref<64x128xf32, #tpu.memory_space<vmem>>, vector<64x128xf32>,
      %broadcast_in_dim3A_173 = arith.constant 0 : i32
      %broadcast_in_dim3A_174 = vector.broadcast %broadcast_in_dim3A_173 : i32 to vector<64xi32>
      %swap3A_175 = arith.constant 0 : index
      %swap3A_176 = vector.load %arg12[%swap3A_175] : memref<64xi32, #tpu.memory_space<vmem>>, vector<64xi32>
      tpu.vector_store %arg12[%swap3A_175], %broadcast_in_dim3A_174 {strides = array<i32>} : memref<64xi32, #tpu.memory_space<vmem>>, vector<64xi32>,
      %get3A_177 = arith.constant 0 : index
      %get3A_178 = memref.load %arg7[%get3A_177] : memref<512xi32, #tpu.memory_space<smem>>
      %swap3A_179 = arith.constant 0 : index
      %swap3A_180 = memref.load %arg13[%swap3A_179] : memref<2xi32, #tpu.memory_space<smem>>
      memref.store %get3A_178, %arg13[%swap3A_179] : memref<2xi32, #tpu.memory_space<smem>>
      %swap3A_181 = arith.constant 0 : i32
      %swap3A_182 = arith.constant 1 : index
      %swap3A_183 = memref.load %arg13[%swap3A_182] : memref<2xi32, #tpu.memory_space<smem>>
      memref.store %swap3A_181, %arg13[%swap3A_182] : memref<2xi32, #tpu.memory_space<smem>>
    } else {
    }
    %get3A = arith.constant 0 : index
    %get3A_2 = arith.constant 0 : index
    %get3A_3 = vector.load %arg6[%get3A, %get3A_2] : memref<512x1xi32, #tpu.memory_space<vmem>>, vector<512x1xi32>
    %iota3A = tpu.iota {dimensions = array<i32: 0>} : vector<512x1xi32>
    %mul3A = arith.constant 512 : i32
    %mul3A_4 = arith.muli %arg0, %mul3A : i32
    %add3A = vector.broadcast %mul3A_4 : i32 to vector<512x1xi32>
    %add3A_5 = arith.addi %iota3A, %add3A : vector<512x1xi32>
    %lt3A = arith.constant 10000 : i32
    %lt3A_6 = vector.broadcast %lt3A : i32 to vector<512x1xi32>
    %lt3A_7 = arith.cmpi slt, %add3A_5, %lt3A_6 : vector<512x1xi32>
    %get3A_8 = arith.constant 0 : index
    %get3A_9 = arith.constant 0 : index
    %get3A_10 = arith.constant 0 : index
    %get3A_11 = vector.load %arg1[%get3A_8, %get3A_9, %get3A_10] : memref<1x512x128xf32, #tpu.memory_space<vmem>>, vector<1x512x128xf32>
    %get3A_12 = vector.shape_cast %get3A_11 : vector<1x512x128xf32> to vector<512x128xf32>
    %get3A_13 = arith.constant 0 : index
    %get3A_14 = arith.constant 0 : index
    %get3A_15 = arith.constant 0 : index
    %get3A_16 = vector.load %arg2[%get3A_13, %get3A_14, %get3A_15] : memref<1x512x128xf32, #tpu.memory_space<vmem>>, vector<1x512x128xf32>
    %get3A_17 = vector.shape_cast %get3A_16 : vector<1x512x128xf32> to vector<512x128xf32>
    %add3A_18 = arith.addf %get3A_12, %get3A_17 : vector<512x128xf32>
    %get3A_19 = arith.constant 0 : index
    %get3A_20 = arith.constant 0 : index
    %get3A_21 = vector.load %arg3[%get3A_19, %get3A_20] : memref<512x128xf32, #tpu.memory_space<vmem>>, vector<512x128xf32>
    %add3A_22 = arith.addf %add3A_18, %get3A_21 : vector<512x128xf32>
    %get3A_23 = arith.constant 0 : index
    %get3A_24 = arith.constant 0 : index
    %get3A_25 = vector.load %arg4[%get3A_23, %get3A_24] : memref<512x1xf32, #tpu.memory_space<vmem>>, vector<512x1xf32>
    %mul3A_26 = vector.broadcast %get3A_25 : vector<512x1xf32> to vector<512x128xf32>
    %mul3A_27 = arith.mulf %add3A_22, %mul3A_26 : vector<512x128xf32>
    %get3A_28 = arith.constant 0 : index
    %get3A_29 = vector.load %arg5[%get3A_28] : memref<128xf32, #tpu.memory_space<vmem>>, vector<128xf32>
    %broadcast_in_dim3A = vector.shape_cast %get3A_29 : vector<128xf32> to vector<1x128xf32>
    %add3A_30 = vector.broadcast %broadcast_in_dim3A : vector<1x128xf32> to vector<512x128xf32>
    %add3A_31 = arith.addf %mul3A_27, %add3A_30 : vector<512x128xf32>
    %max3A = arith.constant 0.000000e+00 : f32
    %max3A_32 = vector.broadcast %max3A : f32 to vector<512x128xf32>
    %max3A_33 = arith.maximumf %add3A_31, %max3A_32 : vector<512x128xf32>
    %jit3A = arith.constant 0.000000e+00 : f32
    %broadcast_in_dim3A_34 = vector.shape_cast %lt3A_7 : vector<512x1xi1> to vector<512x1xi1>
    %broadcast_in_dim3A_35 = vector.broadcast %broadcast_in_dim3A_34 : vector<512x1xi1> to vector<512x128xi1>
    %broadcast_in_dim3A_36 = vector.broadcast %jit3A : f32 to vector<512x128xf32>
    %select_n3A = arith.select %broadcast_in_dim3A_35, %max3A_33, %broadcast_in_dim3A_36 : vector<512x128xi1>, vector<512x128xf32>
    %get3A_37 = arith.constant 0 : index
    %get3A_38 = memref.load %arg13[%get3A_37] : memref<2xi32, #tpu.memory_space<smem>>
    %get3A_39 = arith.constant 1 : index
    %get3A_40 = memref.load %arg13[%get3A_39] : memref<2xi32, #tpu.memory_space<smem>>
    %broadcast_in_dim3A_41 = vector.broadcast %get3A_38 : i32 to vector<1x1xi32>
    %slice3A = vector.extract_strided_slice %get3A_3 {offsets = [0, 0], sizes = [511, 1], strides = [1, 1]} : vector<512x1xi32> to vector<511x1xi32>
    %concatenate3A = tpu.concatenate %broadcast_in_dim3A_41, %slice3A in 0 : vector<1x1xi32>, vector<511x1xi32> -> vector<512x1xi32>
    %ne3A = arith.cmpi ne, %get3A_3, %concatenate3A : vector<512x1xi32>
    %and3A = arith.andi %ne3A, %lt3A_7 : vector<512x1xi1>
    %jit3A_42 = arith.constant 1 : i32
    %jit3A_43 = arith.constant 0 : i32
    %broadcast_in_dim3A_44 = vector.broadcast %jit3A_42 : i32 to vector<512x1xi32>
    %broadcast_in_dim3A_45 = vector.broadcast %jit3A_43 : i32 to vector<512x1xi32>
    %select_n3A_46 = arith.select %and3A, %broadcast_in_dim3A_44, %broadcast_in_dim3A_45 : vector<512x1xi1>, vector<512x1xi32>
    %broadcast_in_dim3A_47 = arith.constant 0 : i32
    %broadcast_in_dim3A_48 = vector.broadcast %broadcast_in_dim3A_47 : i32 to vector<1x1xi32>
    %slice3A_49 = vector.extract_strided_slice %select_n3A_46 {offsets = [0, 0], sizes = [511, 1], strides = [1, 1]} : vector<512x1xi32> to vector<511x1xi32>
    %concatenate3A_50 = tpu.concatenate %broadcast_in_dim3A_48, %slice3A_49 in 0 : vector<1x1xi32>, vector<511x1xi32> -> vector<512x1xi32>
    %add3A_51 = arith.addi %select_n3A_46, %concatenate3A_50 : vector<512x1xi32>
    %broadcast_in_dim3A_52 = arith.constant 0 : i32
    %broadcast_in_dim3A_53 = vector.broadcast %broadcast_in_dim3A_52 : i32 to vector<2x1xi32>
    %slice3A_54 = vector.extract_strided_slice %add3A_51 {offsets = [0, 0], sizes = [510, 1], strides = [1, 1]} : vector<512x1xi32> to vector<510x1xi32>
    %concatenate3A_55 = tpu.concatenate %broadcast_in_dim3A_53, %slice3A_54 in 0 : vector<2x1xi32>, vector<510x1xi32> -> vector<512x1xi32>
    %add3A_56 = arith.addi %add3A_51, %concatenate3A_55 : vector<512x1xi32>
    %broadcast_in_dim3A_57 = arith.constant 0 : i32
    %broadcast_in_dim3A_58 = vector.broadcast %broadcast_in_dim3A_57 : i32 to vector<4x1xi32>
    %slice3A_59 = vector.extract_strided_slice %add3A_56 {offsets = [0, 0], sizes = [508, 1], strides = [1, 1]} : vector<512x1xi32> to vector<508x1xi32>
    %concatenate3A_60 = tpu.concatenate %broadcast_in_dim3A_58, %slice3A_59 in 0 : vector<4x1xi32>, vector<508x1xi32> -> vector<512x1xi32>
    %add3A_61 = arith.addi %add3A_56, %concatenate3A_60 : vector<512x1xi32>
    %broadcast_in_dim3A_62 = arith.constant 0 : i32
    %broadcast_in_dim3A_63 = vector.broadcast %broadcast_in_dim3A_62 : i32 to vector<8x1xi32>
    %slice3A_64 = vector.extract_strided_slice %add3A_61 {offsets = [0, 0], sizes = [504, 1], strides = [1, 1]} : vector<512x1xi32> to vector<504x1xi32>
    %concatenate3A_65 = tpu.concatenate %broadcast_in_dim3A_63, %slice3A_64 in 0 : vector<8x1xi32>, vector<504x1xi32> -> vector<512x1xi32>
    %add3A_66 = arith.addi %add3A_61, %concatenate3A_65 : vector<512x1xi32>
    %broadcast_in_dim3A_67 = arith.constant 0 : i32
    %broadcast_in_dim3A_68 = vector.broadcast %broadcast_in_dim3A_67 : i32 to vector<16x1xi32>
    %slice3A_69 = vector.extract_strided_slice %add3A_66 {offsets = [0, 0], sizes = [496, 1], strides = [1, 1]} : vector<512x1xi32> to vector<496x1xi32>
    %concatenate3A_70 = tpu.concatenate %broadcast_in_dim3A_68, %slice3A_69 in 0 : vector<16x1xi32>, vector<496x1xi32> -> vector<512x1xi32>
    %add3A_71 = arith.addi %add3A_66, %concatenate3A_70 : vector<512x1xi32>
    %broadcast_in_dim3A_72 = arith.constant 0 : i32
    %broadcast_in_dim3A_73 = vector.broadcast %broadcast_in_dim3A_72 : i32 to vector<32x1xi32>
    %slice3A_74 = vector.extract_strided_slice %add3A_71 {offsets = [0, 0], sizes = [480, 1], strides = [1, 1]} : vector<512x1xi32> to vector<480x1xi32>
    %concatenate3A_75 = tpu.concatenate %broadcast_in_dim3A_73, %slice3A_74 in 0 : vector<32x1xi32>, vector<480x1xi32> -> vector<512x1xi32>
    %add3A_76 = arith.addi %add3A_71, %concatenate3A_75 : vector<512x1xi32>
    %broadcast_in_dim3A_77 = arith.constant 0 : i32
    %broadcast_in_dim3A_78 = vector.broadcast %broadcast_in_dim3A_77 : i32 to vector<64x1xi32>
    %slice3A_79 = vector.extract_strided_slice %add3A_76 {offsets = [0, 0], sizes = [448, 1], strides = [1, 1]} : vector<512x1xi32> to vector<448x1xi32>
    %concatenate3A_80 = tpu.concatenate %broadcast_in_dim3A_78, %slice3A_79 in 0 : vector<64x1xi32>, vector<448x1xi32> -> vector<512x1xi32>
    %add3A_81 = arith.addi %add3A_76, %concatenate3A_80 : vector<512x1xi32>
    %broadcast_in_dim3A_82 = arith.constant 0 : i32
    %broadcast_in_dim3A_83 = vector.broadcast %broadcast_in_dim3A_82 : i32 to vector<128x1xi32>
    %slice3A_84 = vector.extract_strided_slice %add3A_81 {offsets = [0, 0], sizes = [384, 1], strides = [1, 1]} : vector<512x1xi32> to vector<384x1xi32>
    %concatenate3A_85 = tpu.concatenate %broadcast_in_dim3A_83, %slice3A_84 in 0 : vector<128x1xi32>, vector<384x1xi32> -> vector<512x1xi32>
    %add3A_86 = arith.addi %add3A_81, %concatenate3A_85 : vector<512x1xi32>
    %broadcast_in_dim3A_87 = arith.constant 0 : i32
    %broadcast_in_dim3A_88 = vector.broadcast %broadcast_in_dim3A_87 : i32 to vector<256x1xi32>
    %slice3A_89 = vector.extract_strided_slice %add3A_86 {offsets = [0, 0], sizes = [256, 1], strides = [1, 1]} : vector<512x1xi32> to vector<256x1xi32>
    %concatenate3A_90 = tpu.concatenate %broadcast_in_dim3A_88, %slice3A_89 in 0 : vector<256x1xi32>, vector<256x1xi32> -> vector<512x1xi32>
    %add3A_91 = arith.addi %add3A_86, %concatenate3A_90 : vector<512x1xi32>
    %add3A_92 = vector.broadcast %get3A_40 : i32 to vector<512x1xi32>
    %add3A_93 = arith.addi %add3A_91, %add3A_92 : vector<512x1xi32>
    %broadcast_in_dim3A_94 = vector.shape_cast %add3A_93 : vector<512x1xi32> to vector<512x1xi32>
    %broadcast_in_dim3A_95 = vector.broadcast %broadcast_in_dim3A_94 : vector<512x1xi32> to vector<512x64xi32>
    %iota3A_96 = tpu.iota {dimensions = array<i32: 1>} : vector<512x64xi32>
    %eq3A_97 = arith.cmpi eq, %broadcast_in_dim3A_95, %iota3A_96 : vector<512x64xi32>
    %eq3A_98 = arith.constant 1 : i32
    %eq3A_99 = vector.broadcast %eq3A_98 : i32 to vector<512x1xi32>
    %eq3A_100 = arith.cmpi eq, %select_n3A_46, %eq3A_99 : vector<512x1xi32>
    %broadcast_in_dim3A_101 = vector.shape_cast %eq3A_100 : vector<512x1xi1> to vector<512x1xi1>
    %broadcast_in_dim3A_102 = vector.broadcast %broadcast_in_dim3A_101 : vector<512x1xi1> to vector<512x64xi1>
    %and3A_103 = arith.andi %eq3A_97, %broadcast_in_dim3A_102 : vector<512x64xi1>
    %broadcast_in_dim3A_104 = vector.shape_cast %add3A_5 : vector<512x1xi32> to vector<512x1xi32>
    %broadcast_in_dim3A_105 = vector.broadcast %broadcast_in_dim3A_104 : vector<512x1xi32> to vector<512x64xi32>
    %jit3A_106 = arith.constant 0 : i32
    %broadcast_in_dim3A_107 = vector.broadcast %jit3A_106 : i32 to vector<512x64xi32>
    %select_n3A_108 = arith.select %and3A_103, %broadcast_in_dim3A_105, %broadcast_in_dim3A_107 : vector<512x64xi1>, vector<512x64xi32>
    %get3A_109 = arith.constant 0 : index
    %get3A_110 = vector.load %arg12[%get3A_109] : memref<64xi32, #tpu.memory_space<vmem>>, vector<64xi32>
    %reduce_sum3A = arith.constant dense<0> : vector<64xi32>
    %reduce_sum3A_111 = vector.multi_reduction <add>, %select_n3A_108, %reduce_sum3A [0] : vector<512x64xi32> to vector<64xi32>
    %add3A_112 = arith.addi %get3A_110, %reduce_sum3A_111 : vector<64xi32>
    %swap3A = arith.constant 0 : index
    %swap3A_113 = vector.load %arg12[%swap3A] : memref<64xi32, #tpu.memory_space<vmem>>, vector<64xi32>
    tpu.vector_store %arg12[%swap3A], %add3A_112 {strides = array<i32>} : memref<64xi32, #tpu.memory_space<vmem>>, vector<64xi32>,
    %get3A_114 = arith.constant 511 : index
    %get3A_115 = memref.load %arg7[%get3A_114] : memref<512xi32, #tpu.memory_space<smem>>
    %swap3A_116 = arith.constant 0 : index
    %swap3A_117 = memref.load %arg13[%swap3A_116] : memref<2xi32, #tpu.memory_space<smem>>
    memref.store %get3A_115, %arg13[%swap3A_116] : memref<2xi32, #tpu.memory_space<smem>>
    %reduce_sum3A_118 = vector.shape_cast %select_n3A_46 : vector<512x1xi32> to vector<1x512x1xi32>
    %reduce_sum3A_119 = arith.constant dense<0> : vector<1xi32>
    %reduce_sum3A_120 = vector.multi_reduction <add>, %reduce_sum3A_118, %reduce_sum3A_119 [1, 2] : vector<1x512x1xi32> to vector<1xi32>
    %reduce_sum3A_121 = vector.shape_cast %reduce_sum3A_120 : vector<1xi32> to vector<1x1x1xi32>
    %reduce_sum3A_122 = vector.extract %reduce_sum3A_121[0, 0, 0] : i32 from vector<1x1x1xi32>
    %add3A_123 = arith.addi %get3A_40, %reduce_sum3A_122 : i32
    %swap3A_124 = arith.constant 1 : index
    %swap3A_125 = memref.load %arg13[%swap3A_124] : memref<2xi32, #tpu.memory_space<smem>>
    memref.store %add3A_123, %arg13[%swap3A_124] : memref<2xi32, #tpu.memory_space<smem>>
    %broadcast_in_dim3A_126 = vector.shape_cast %get3A_3 : vector<512x1xi32> to vector<512x1xi32>
    %broadcast_in_dim3A_127 = vector.broadcast %broadcast_in_dim3A_126 : vector<512x1xi32> to vector<512x64xi32>
    %eq3A_128 = arith.cmpi eq, %broadcast_in_dim3A_127, %iota3A_96 : vector<512x64xi32>
    %broadcast_in_dim3A_129 = vector.shape_cast %lt3A_7 : vector<512x1xi1> to vector<512x1xi1>
    %broadcast_in_dim3A_130 = vector.broadcast %broadcast_in_dim3A_129 : vector<512x1xi1> to vector<512x64xi1>
    %and3A_131 = arith.andi %eq3A_128, %broadcast_in_dim3A_130 : vector<512x64xi1>
    %convert_element_type3A_132 = arith.extui %and3A_131 : vector<512x64xi1> to vector<512x64xi32>
    %convert_element_type3A_133 = arith.sitofp %convert_element_type3A_132 : vector<512x64xi32> to vector<512x64xf32>
    %get3A_134 = arith.constant 0 : index
    %get3A_135 = arith.constant 0 : index
    %get3A_136 = vector.load %arg10[%get3A_134, %get3A_135] : memref<64x128xf32, #tpu.memory_space<vmem>>, vector<64x128xf32>
    %dot_general3A = arith.constant dense<0.000000e+00> : vector<64x128xf32>
    %dot_general3A_137 = tpu.matmul %convert_element_type3A_133, %select_n3A, %dot_general3A {dimension_numbers = #tpu.dot_dimension_numbers<[0], [0], [1], [1], [0, 1, 1, 1], [], []>, precision = #tpu.contract_precision<fp32>, transpose_lhs_hint = false} : vector<512x64xf32>, vector<512x128xf32>, vector<64x128xf32> -> vector<64x128xf32>
    %add3A_138 = arith.addf %get3A_136, %dot_general3A_137 : vector<64x128xf32>
    %swap3A_139 = arith.constant 0 : index
    %swap3A_140 = arith.constant 0 : index
    %swap3A_141 = vector.load %arg10[%swap3A_139, %swap3A_140] : memref<64x128xf32, #tpu.memory_space<vmem>>, vector<64x128xf32>
    tpu.vector_store %arg10[%swap3A_139, %swap3A_140], %add3A_138 {strides = array<i32>} : memref<64x128xf32, #tpu.memory_space<vmem>>, vector<64x128xf32>,
    %get3A_142 = arith.constant 0 : index
    %get3A_143 = memref.load %arg7[%get3A_142] : memref<512xi32, #tpu.memory_space<smem>>
    %get3A_144 = arith.constant 511 : index
    %get3A_145 = memref.load %arg7[%get3A_144] : memref<512xi32, #tpu.memory_space<smem>>
    %add3A_146 = arith.constant 1 : i32
    %add3A_147 = arith.addi %get3A_145, %add3A_146 : i32
    %while3A = arith.constant 0 : i32
    %while3A_148 = arith.subi %add3A_147, %get3A_143 : i32
    %while3A_149 = arith.addi %get3A_143, %while3A_148 : i32
    %while3A_150 = arith.constant 1 : i32
    %while3A_151 = arith.divsi %while3A_148, %while3A_150 : i32
    %while3A_152 = arith.muli %while3A_151, %while3A_150 : i32
    %while3A_153 = arith.addi %get3A_143, %while3A_152 : i32
    %while3A_154 = arith.constant 1 : i32
    %while3A_155 = scf.for %while3A_163 = %get3A_143 to %while3A_153 step %while3A_154 iter_args(%while3A_164 = %while3A) -> (i32)  : i32 {
      %eq3A_165 = vector.broadcast %while3A_163 : i32 to vector<512x1xi32>
      %eq3A_166 = arith.cmpi eq, %get3A_3, %eq3A_165 : vector<512x1xi32>
      %and3A_167 = arith.andi %eq3A_166, %lt3A_7 : vector<512x1xi1>
      %jit3A_168 = arith.constant 0xFF800000 : f32
      %broadcast_in_dim3A_169 = vector.shape_cast %and3A_167 : vector<512x1xi1> to vector<512x1xi1>
      %broadcast_in_dim3A_170 = vector.broadcast %broadcast_in_dim3A_169 : vector<512x1xi1> to vector<512x128xi1>
      %broadcast_in_dim3A_171 = vector.broadcast %jit3A_168 : f32 to vector<512x128xf32>
      %select_n3A_172 = arith.select %broadcast_in_dim3A_170, %select_n3A, %broadcast_in_dim3A_171 : vector<512x128xi1>, vector<512x128xf32>
      %reduce_max3A = arith.constant dense<0xFF800000> : vector<128xf32>
      %reduce_max3A_173 = vector.multi_reduction <maximumf>, %select_n3A_172, %reduce_max3A [0] : vector<512x128xf32> to vector<128xf32>
      %broadcast_in_dim3A_174 = vector.shape_cast %reduce_max3A_173 : vector<128xf32> to vector<1x128xf32>
      %get3A_175 = arith.index_cast %while3A_163 : i32 to index
      %get3A_176 = arith.constant 0 : index
      %get3A_177 = vector.load %arg11[%get3A_175, %get3A_176] : memref<64x128xf32, #tpu.memory_space<vmem>>, vector<1x128xf32>
      %max3A_178 = arith.maximumf %get3A_177, %broadcast_in_dim3A_174 : vector<1x128xf32>
      %swap3A_179 = arith.index_cast %while3A_163 : i32 to index
      %swap3A_180 = arith.constant 0 : index
      %swap3A_181 = vector.load %arg11[%swap3A_179, %swap3A_180] : memref<64x128xf32, #tpu.memory_space<vmem>>, vector<1x128xf32>
      tpu.vector_store %arg11[%swap3A_179, %swap3A_180], %max3A_178 {strides = array<i32>} : memref<64x128xf32, #tpu.memory_space<vmem>>, vector<1x128xf32>,
      %while3A_182 = arith.constant 0 : i32
      scf.yield %while3A_182 : i32
    }
    %while3A_156 = arith.constant 1 : i32
    %while3A_157 = scf.for %while3A_163 = %while3A_153 to %while3A_149 step %while3A_156 iter_args(%while3A_164 = %while3A_155) -> (i32)  : i32 {
      %eq3A_165 = vector.broadcast %while3A_163 : i32 to vector<512x1xi32>
      %eq3A_166 = arith.cmpi eq, %get3A_3, %eq3A_165 : vector<512x1xi32>
      %and3A_167 = arith.andi %eq3A_166, %lt3A_7 : vector<512x1xi1>
      %jit3A_168 = arith.constant 0xFF800000 : f32
      %broadcast_in_dim3A_169 = vector.shape_cast %and3A_167 : vector<512x1xi1> to vector<512x1xi1>
      %broadcast_in_dim3A_170 = vector.broadcast %broadcast_in_dim3A_169 : vector<512x1xi1> to vector<512x128xi1>
      %broadcast_in_dim3A_171 = vector.broadcast %jit3A_168 : f32 to vector<512x128xf32>
      %select_n3A_172 = arith.select %broadcast_in_dim3A_170, %select_n3A, %broadcast_in_dim3A_171 : vector<512x128xi1>, vector<512x128xf32>
      %reduce_max3A = arith.constant dense<0xFF800000> : vector<128xf32>
      %reduce_max3A_173 = vector.multi_reduction <maximumf>, %select_n3A_172, %reduce_max3A [0] : vector<512x128xf32> to vector<128xf32>
      %broadcast_in_dim3A_174 = vector.shape_cast %reduce_max3A_173 : vector<128xf32> to vector<1x128xf32>
      %get3A_175 = arith.index_cast %while3A_163 : i32 to index
      %get3A_176 = arith.constant 0 : index
      %get3A_177 = vector.load %arg11[%get3A_175, %get3A_176] : memref<64x128xf32, #tpu.memory_space<vmem>>, vector<1x128xf32>
      %max3A_178 = arith.maximumf %get3A_177, %broadcast_in_dim3A_174 : vector<1x128xf32>
      %swap3A_179 = arith.index_cast %while3A_163 : i32 to index
      %swap3A_180 = arith.constant 0 : index
      %swap3A_181 = vector.load %arg11[%swap3A_179, %swap3A_180] : memref<64x128xf32, #tpu.memory_space<vmem>>, vector<1x128xf32>
      tpu.vector_store %arg11[%swap3A_179, %swap3A_180], %max3A_178 {strides = array<i32>} : memref<64x128xf32, #tpu.memory_space<vmem>>, vector<1x128xf32>,
      %while3A_182 = arith.constant 0 : i32
      scf.yield %while3A_182 : i32
    }
    %eq3A_158 = arith.constant 19 : i32
    %eq3A_159 = arith.cmpi eq, %arg0, %eq3A_158 : i32
    %convert_element_type3A_160 = arith.extui %eq3A_159 : i1 to i32
    %cond3A_161 = arith.constant 0 : i32
    %cond3A_162 = arith.cmpi ne, %convert_element_type3A_160, %cond3A_161 : i32
    scf.if %cond3A_162 {
      %get3A_163 = arith.constant 0 : index
      %get3A_164 = arith.constant 0 : index
      %get3A_165 = vector.load %arg11[%get3A_163, %get3A_164] : memref<64x128xf32, #tpu.memory_space<vmem>>, vector<64x128xf32>
      %get3A_166 = arith.constant 0 : index
      %get3A_167 = arith.constant 0 : index
      %get3A_168 = vector.load %arg10[%get3A_166, %get3A_167] : memref<64x128xf32, #tpu.memory_space<vmem>>, vector<64x128xf32>
      %add3A_169 = arith.addf %get3A_165, %get3A_168 : vector<64x128xf32>
      %swap3A_170 = arith.constant 0 : index
      %swap3A_171 = arith.constant 0 : index
      %swap3A_172 = vector.load %arg8[%swap3A_170, %swap3A_171] : memref<64x128xf32, #tpu.memory_space<vmem>>, vector<64x128xf32>
      tpu.vector_store %arg8[%swap3A_170, %swap3A_171], %add3A_169 {strides = array<i32>} : memref<64x128xf32, #tpu.memory_space<vmem>>, vector<64x128xf32>,
      %iota3A_173 = tpu.iota {dimensions = array<i32: 1>} : vector<1x64xi32>
      %iota3A_174 = vector.shape_cast %iota3A_173 : vector<1x64xi32> to vector<64xi32>
      %eq3A_175 = arith.constant 0 : i32
      %eq3A_176 = vector.broadcast %eq3A_175 : i32 to vector<64xi32>
      %eq3A_177 = arith.cmpi eq, %iota3A_174, %eq3A_176 : vector<64xi32>
      %get3A_178 = arith.constant 0 : index
      %get3A_179 = vector.load %arg12[%get3A_178] : memref<64xi32, #tpu.memory_space<vmem>>, vector<64xi32>
      %max3A_180 = arith.constant 1 : i32
      %max3A_181 = vector.broadcast %max3A_180 : i32 to vector<64xi32>
      %max3A_182 = arith.maxsi %get3A_179, %max3A_181 : vector<64xi32>
      %jit3A_183 = arith.constant 0 : i32
      %broadcast_in_dim3A_184 = vector.broadcast %jit3A_183 : i32 to vector<64xi32>
      %select_n3A_185 = arith.select %eq3A_177, %broadcast_in_dim3A_184, %max3A_182 : vector<64xi1>, vector<64xi32>
      %swap3A_186 = arith.constant 0 : index
      %swap3A_187 = vector.load %arg9[%swap3A_186] : memref<64xi32, #tpu.memory_space<vmem>>, vector<64xi32>
      tpu.vector_store %arg9[%swap3A_186], %select_n3A_185 {strides = array<i32>} : memref<64xi32, #tpu.memory_space<vmem>>, vector<64xi32>,
    } else {
    }
    return
  }
  func.func @transform_0(%arg0: i32) -> (i32, i32, i32) {
    %c0_i32 = arith.constant 0 : i32
    %c0_i32_0 = arith.constant 0 : i32
    %c0_i32_1 = arith.constant 0 : i32
    return %c0_i32, %arg0, %c0_i32_0 : i32, i32, i32
  }
  func.func @transform_1(%arg0: i32) -> (i32, i32, i32) {
    %c1_i32 = arith.constant 1 : i32
    %c0_i32 = arith.constant 0 : i32
    %c0_i32_0 = arith.constant 0 : i32
    return %c1_i32, %arg0, %c0_i32 : i32, i32, i32
  }
  func.func @transform_2(%arg0: i32) -> (i32, i32) {
    %c0_i32 = arith.constant 0 : i32
    %c0_i32_0 = arith.constant 0 : i32
    return %arg0, %c0_i32 : i32, i32
  }
  func.func @transform_3(%arg0: i32) -> (i32, i32) {
    %c0_i32 = arith.constant 0 : i32
    %c0_i32_0 = arith.constant 0 : i32
    return %arg0, %c0_i32 : i32, i32
  }
  func.func @transform_4(%arg0: i32) -> i32 {
    %c0_i32 = arith.constant 0 : i32
    %c0_i32_0 = arith.constant 0 : i32
    return %c0_i32 : i32
  }
  func.func @transform_5(%arg0: i32) -> (i32, i32) {
    %c0_i32 = arith.constant 0 : i32
    %c0_i32_0 = arith.constant 0 : i32
    return %arg0, %c0_i32 : i32, i32
  }
  func.func @transform_6(%arg0: i32) -> i32 {
    %c0_i32 = arith.constant 0 : i32
    return %arg0 : i32
  }
  func.func @transform_7(%arg0: i32) -> (i32, i32) {
    %c0_i32 = arith.constant 0 : i32
    %c0_i32_0 = arith.constant 0 : i32
    %c0_i32_1 = arith.constant 0 : i32
    return %c0_i32, %c0_i32_0 : i32, i32
  }
  func.func @transform_8(%arg0: i32) -> i32 {
    %c0_i32 = arith.constant 0 : i32
    %c0_i32_0 = arith.constant 0 : i32
    return %c0_i32 : i32
  }
}

module attributes {stable_mosaic.version = 14 : i64} {
  func.func @_head_kernel(%arg0: memref<10000x256xf32, #tpu.memory_space<vmem>>, %arg1: memref<64xi32, #tpu.memory_space<smem>>, %arg2: memref<64x128xf32, #tpu.memory_space<vmem>>, %arg3: memref<256x128xf32, #tpu.memory_space<vmem>>, %arg4: memref<128xf32, #tpu.memory_space<vmem>>, %arg5: memref<256x128xf32, #tpu.memory_space<vmem>>, %arg6: memref<128xf32, #tpu.memory_space<vmem>>, %arg7: memref<128x2xf32, #tpu.memory_space<vmem>>, %arg8: memref<2xf32, #tpu.memory_space<vmem>>, %arg9: memref<64x2xf32, #tpu.memory_space<vmem>>, %arg10: memref<64x256xf32, #tpu.memory_space<vmem>>) attributes {dimension_semantics = [], scalar_prefetch = 0 : i64, scratch_operands = 1 : i64, tpu.core_type = #tpu.core_type<tc>} {
    %scan3A = arith.constant 0 : i32
    %scan3A_0 = arith.constant 64 : i32
    %scan3A_1 = arith.addi %scan3A, %scan3A_0 : i32
    %scan3A_2 = arith.constant 1 : i32
    scf.for %scan3A_51 = %scan3A to %scan3A_1 step %scan3A_2  : i32 {
      %get3A_52 = arith.index_cast %scan3A_51 : i32 to index
      %get3A_53 = memref.load %arg1[%get3A_52] : memref<64xi32, #tpu.memory_space<smem>>
      %get3A_54 = arith.index_cast %get3A_53 : i32 to index
      %get3A_55 = arith.constant 0 : index
      %get3A_56 = vector.load %arg0[%get3A_54, %get3A_55] : memref<10000x256xf32, #tpu.memory_space<vmem>>, vector<1x256xf32>
      %swap3A_57 = arith.index_cast %scan3A_51 : i32 to index
      %swap3A_58 = arith.constant 0 : index
      %swap3A_59 = vector.load %arg10[%swap3A_57, %swap3A_58] : memref<64x256xf32, #tpu.memory_space<vmem>>, vector<1x256xf32>
      tpu.vector_store %arg10[%swap3A_57, %swap3A_58], %get3A_56 {strides = array<i32>} : memref<64x256xf32, #tpu.memory_space<vmem>>, vector<1x256xf32>,
    }
    %scan3A_3 = arith.constant 64 : i32
    %get3A = arith.constant 0 : index
    %get3A_4 = arith.constant 0 : index
    %get3A_5 = vector.load %arg10[%get3A, %get3A_4] : memref<64x256xf32, #tpu.memory_space<vmem>>, vector<64x256xf32>
    %get3A_6 = arith.constant 0 : index
    %get3A_7 = arith.constant 0 : index
    %get3A_8 = vector.load %arg3[%get3A_6, %get3A_7] : memref<256x128xf32, #tpu.memory_space<vmem>>, vector<256x128xf32>
    %dot_general3A = arith.constant dense<0.000000e+00> : vector<64x128xf32>
    %dot_general3A_9 = tpu.matmul %get3A_5, %get3A_8, %dot_general3A {dimension_numbers = #tpu.dot_dimension_numbers<[1], [0], [0], [1], [0, 0, 1, 1], [], []>, transpose_lhs_hint = false} : vector<64x256xf32>, vector<256x128xf32>, vector<64x128xf32> -> vector<64x128xf32>
    %get3A_10 = arith.constant 0 : index
    %get3A_11 = vector.load %arg4[%get3A_10] : memref<128xf32, #tpu.memory_space<vmem>>, vector<128xf32>
    %broadcast_in_dim3A = vector.shape_cast %get3A_11 : vector<128xf32> to vector<1x128xf32>
    %add3A = vector.broadcast %broadcast_in_dim3A : vector<1x128xf32> to vector<64x128xf32>
    %add3A_12 = arith.addf %dot_general3A_9, %add3A : vector<64x128xf32>
    %max3A = arith.constant 0.000000e+00 : f32
    %max3A_13 = vector.broadcast %max3A : f32 to vector<64x128xf32>
    %max3A_14 = arith.maximumf %add3A_12, %max3A_13 : vector<64x128xf32>
    %get3A_15 = arith.constant 0 : index
    %get3A_16 = arith.constant 0 : index
    %get3A_17 = vector.load %arg2[%get3A_15, %get3A_16] : memref<64x128xf32, #tpu.memory_space<vmem>>, vector<64x128xf32>
    %concatenate3A = tpu.concatenate %max3A_14, %get3A_17 in 1 : vector<64x128xf32>, vector<64x128xf32> -> vector<64x256xf32>
    %get3A_18 = arith.constant 0 : index
    %get3A_19 = arith.constant 0 : index
    %get3A_20 = vector.load %arg5[%get3A_18, %get3A_19] : memref<256x128xf32, #tpu.memory_space<vmem>>, vector<256x128xf32>
    %dot_general3A_21 = arith.constant dense<0.000000e+00> : vector<64x128xf32>
    %dot_general3A_22 = tpu.matmul %concatenate3A, %get3A_20, %dot_general3A_21 {dimension_numbers = #tpu.dot_dimension_numbers<[1], [0], [0], [1], [0, 0, 1, 1], [], []>, transpose_lhs_hint = false} : vector<64x256xf32>, vector<256x128xf32>, vector<64x128xf32> -> vector<64x128xf32>
    %get3A_23 = arith.constant 0 : index
    %get3A_24 = vector.load %arg6[%get3A_23] : memref<128xf32, #tpu.memory_space<vmem>>, vector<128xf32>
    %broadcast_in_dim3A_25 = vector.shape_cast %get3A_24 : vector<128xf32> to vector<1x128xf32>
    %add3A_26 = vector.broadcast %broadcast_in_dim3A_25 : vector<1x128xf32> to vector<64x128xf32>
    %add3A_27 = arith.addf %dot_general3A_22, %add3A_26 : vector<64x128xf32>
    %max3A_28 = arith.constant 0.000000e+00 : f32
    %max3A_29 = vector.broadcast %max3A_28 : f32 to vector<64x128xf32>
    %max3A_30 = arith.maximumf %add3A_27, %max3A_29 : vector<64x128xf32>
    %get3A_31 = arith.constant 0 : index
    %get3A_32 = arith.constant 0 : index
    %get3A_33 = vector.load %arg7[%get3A_31, %get3A_32] : memref<128x2xf32, #tpu.memory_space<vmem>>, vector<128x2xf32>
    %dot_general3A_34 = arith.constant dense<0.000000e+00> : vector<64x2xf32>
    %dot_general3A_35 = tpu.matmul %max3A_30, %get3A_33, %dot_general3A_34 {dimension_numbers = #tpu.dot_dimension_numbers<[1], [0], [0], [1], [0, 0, 1, 1], [], []>, transpose_lhs_hint = false} : vector<64x128xf32>, vector<128x2xf32>, vector<64x2xf32> -> vector<64x2xf32>
    %get3A_36 = arith.constant 0 : index
    %get3A_37 = vector.load %arg8[%get3A_36] : memref<2xf32, #tpu.memory_space<vmem>>, vector<2xf32>
    %broadcast_in_dim3A_38 = vector.shape_cast %get3A_37 : vector<2xf32> to vector<1x2xf32>
    %add3A_39 = vector.broadcast %broadcast_in_dim3A_38 : vector<1x2xf32> to vector<64x2xf32>
    %add3A_40 = arith.addf %dot_general3A_35, %add3A_39 : vector<64x2xf32>
    %reduce_max3A = arith.constant dense<0xFF800000> : vector<64xf32>
    %reduce_max3A_41 = vector.multi_reduction <maximumf>, %add3A_40, %reduce_max3A [1] : vector<64x2xf32> to vector<64xf32>
    %broadcast_in_dim3A_42 = vector.shape_cast %reduce_max3A_41 : vector<64xf32> to vector<64x1xf32>
    %sub3A = vector.broadcast %broadcast_in_dim3A_42 : vector<64x1xf32> to vector<64x2xf32>
    %sub3A_43 = arith.subf %add3A_40, %sub3A : vector<64x2xf32>
    %exp3A = math.exp %sub3A_43 : vector<64x2xf32>
    %reduce_sum3A = arith.constant dense<0.000000e+00> : vector<64xf32>
    %reduce_sum3A_44 = vector.multi_reduction <add>, %exp3A, %reduce_sum3A [1] : vector<64x2xf32> to vector<64xf32>
    %broadcast_in_dim3A_45 = vector.shape_cast %reduce_sum3A_44 : vector<64xf32> to vector<64x1xf32>
    %log3A = math.log %broadcast_in_dim3A_45 : vector<64x1xf32>
    %add3A_46 = arith.addf %log3A, %broadcast_in_dim3A_42 : vector<64x1xf32>
    %sub3A_47 = vector.broadcast %add3A_46 : vector<64x1xf32> to vector<64x2xf32>
    %sub3A_48 = arith.subf %add3A_40, %sub3A_47 : vector<64x2xf32>
    %swap3A = arith.constant 0 : index
    %swap3A_49 = arith.constant 0 : index
    %swap3A_50 = vector.load %arg9[%swap3A, %swap3A_49] : memref<64x2xf32, #tpu.memory_space<vmem>>, vector<64x2xf32>
    tpu.vector_store %arg9[%swap3A, %swap3A_49], %sub3A_48 {strides = array<i32>} : memref<64x2xf32, #tpu.memory_space<vmem>>, vector<64x2xf32>,
    return
  }
}

</mosaic_0001>

<sc_bundles>
// kernel: kernel.10.cloned.1.call-start
scs
__scs_entry_jumppad:
0x0: {  	(pc) =	sbr.rel $0x88, $3  }
0x1: {  	(tag) =	ssettag $0x0;
	lr =	simm.s32 $0x1  }
0x2: {  	[smem:$0x3F96] =	sst lr;
	_ =	strace $0xD0000000  }
0x3: {  	_ = 	snop  }
0x4: {  	_ = 	snop  }
0x5: {  	_ = 	snop  }
0x6: {  	_ = 	snop  }
0x7: {  	_ = 	snop  }
__scs_overlays_trampoline_lowered:
0x8: {  	[smem:$0x3FA5] =	sst s0  }
0x9: {  	[smem:$0x3FA6] =	sst s1  }
0xa: {  	[smem:$0x3FA7] =	sst s2  }
0xb: {  	[smem:$0x3FA8] =	sst s3  }
0xc: {  	[smem:$0x3FA9] =	sst s4  }
0xd: {  	[smem:$0x3FAA] =	sst s5  }
0xe: {  	[smem:$0x3FAB] =	sst s6  }
0xf: {  	[smem:$0x3FAC] =	sst s7  }
0x10: {  	[smem:$0x3FAD] =	sst s8  }
0x11: {  	[smem:$0x3FAE] =	sst s9;
	s0 =	simm.s32 @!p0 $0x0  }
0x12: {  	s1 =	sld [smem:$0x3F94];
	s0 =	simm.s32 @p0 $0x1  }
0x13: {  	[smem:$0x3FAF] =	sst s0;
	s0 =	simm.s32 @!p1 $0x0  }
0x14: {  	s2 =	sld [smem:$0x3F93];
	s0 =	simm.s32 @p1 $0x1  }
0x15: {  	[smem:$0x3FB0] =	sst s0;
	s0 =	simm.s32 @!p2 $0x0  }
0x16: {  	s3 =	sld [smem:$0x3FDB];
	s0 =	simm.s32 @p2 $0x1  }
0x17: {  	s4 =	simm.s32 $0x1BF5;
	[smem:$0x3FB2] =	sst s0  }
0x18: {  	s0 =	sld [smem:$0x3F95];
	_ =	swait.ge [sflag:s4], $0x0  }
0x19: {  	s7 =	sld [smem:$0x3F96]  }
0x1a: {  	s8 =	sadd.s32 $0xFFFFE003, lr  }
0x1b: {  	s9 =	sadd.s32 $0xFFFFFEF7, lr;
	s5 =	simm.s32 $0xFFFFFFFF;
	p2 =	slt.u32 s8, $0xFFFFF086  }
0x1c: {  	p1 =	slt.u32 s9, $0xF7A;
	s5 =	simm.s32 @!p2 $0x0  }
0x1d: {  	s5 =	simm.s32 @p1 $0x1;
	p0 =	seq.s32 s7, s2  }
0x1e: {  	s7 =	smul.u32 @!p0 $0xF7A, s2;
	p2 =	seq.s32 @!p0 s5, $0x0  }
0x1f: {  	s9 =	smul.u32 $0xF7A, s1;
	s8 =	simm.s32 @!p0 $0x1BF5;
	p2 =	por !p2, p0  }
0x20: {  	[sflag:s8] =	ssyncset.s32 @!p0 $0xFFFFF086;
	s6 =	sadd.s32 @!p0 s3, s7;
	s7 =	simm.s32 @!p0 $0x108  }
0x21: {  	s3 =	sadd.s32 s3, s9;
	s6 =	sadd.s32 @!p0 $0x88, s6;
	s7 =	simm.s32 @p2 $0x1082  }
0x22: {  	[simem:s7], [sflag:s8] =	dma.local @!p0 [hbm:s6], $0xF7A  }
0x23: {  	s9 =	sor.u32 $0xD0000000, s2;
	s6 =	simm.s32 $0x108;
	_ =	swait.ge @!p0 [sflag:s8], $0x0  }
0x24: {  	s3 =	sadd.s32 $0x88, s3;
	s6 =	simm.s32 @!p1 $0x1082;
	[sflag:s4] =	ssyncset.s32 $0xFFFFF086  }
0x25: {  	[simem:s6], [sflag:s4] =	dma.local [hbm:s3], $0xF7A  }
0x26: {  	[smem:$0x3F96] =	sst s1;
	(tag) =	ssettag s2;
	_ =	strace s9  }
0x27: {  	s1 =	sld [smem:$0x3FA6]  }
0x28: {  	s2 =	sld [smem:$0x3FA7]  }
0x29: {  	s4 =	sld [smem:$0x3FA9]  }
0x2a: {  	p0 =	seq.s32 s5, $0x0;
	s5 =	sld [smem:$0x3FAA]  }
0x2b: {  	s6 =	sld [smem:$0x3FAB]  }
0x2c: {  	s7 =	sld [smem:$0x3FAC]  }
0x2d: {  	s3 =	simm.s32 $0x108;
	s8 =	sld [smem:$0x3FAD]  }
0x2e: {  	s3 =	simm.s32 @!p0 $0x1082;
	s9 =	sld [smem:$0x3FAE]  }
0x2f: {  	lr =	sadd.s32 s0, s3;
	s0 =	sld [smem:$0x3FA5]  }
0x30: {  	s3 =	sld [smem:$0x3FA8]  }
0x31: {  	[smem:$0x3FB1] =	sst s10  }
0x32: {  	s10 =	sld [smem:$0x3FAF];
	_ =	sdelay $0x3  }
0x33: {  	p0 =	seq.s32 s10, $0x1;
	s10 =	sld [smem:$0x3FB1];
	_ =	sdelay $0x3  }
0x34: {  	[smem:$0x3FB1] =	sst s10  }
0x35: {  	s10 =	sld [smem:$0x3FB0];
	_ =	sdelay $0x3  }
0x36: {  	p1 =	seq.s32 s10, $0x1;
	s10 =	sld [smem:$0x3FB1];
	_ =	sdelay $0x3  }
0x37: {  	[smem:$0x3FB1] =	sst s10  }
0x38: {  	s10 =	sld [smem:$0x3FB2]  }
0x39: {  	_ = 	snop;
	(pc) =	sbr.ind lr, $3  }
0x3a: {  	_ = 	snop  }
0x3b: {  	_ = 	snop  }
0x3c: {  	p2 =	seq.s32 s10, $0x1;
	s10 =	sld [smem:$0x3FB1]  }
0x3d: {  	_ =	shalt  }
0x3e: {  	_ =	shalt  }
0x3f: {  	_ =	shalt  }
0x40: {  	_ =	shalt  }
0x41: {  	_ =	shalt  }
0x42: {  	_ =	shalt  }
0x43: {  	_ =	shalt  }
0x44: {  	_ =	shalt  }
0x45: {  	_ =	shalt  }
0x46: {  	_ =	shalt  }
0x47: {  	_ =	shalt  }
0x48: {  	_ =	shalt  }
0x49: {  	_ =	shalt  }
0x4a: {  	_ =	shalt  }
0x4b: {  	_ =	shalt  }
0x4c: {  	_ =	shalt  }
0x4d: {  	_ =	shalt  }
0x4e: {  	_ =	shalt  }
0x4f: {  	_ =	shalt  }
0x50: {  	_ =	shalt  }
0x51: {  	_ =	shalt  }
0x52: {  	_ =	shalt  }
0x53: {  	_ =	shalt  }
0x54: {  	_ =	shalt  }
0x55: {  	_ =	shalt  }
0x56: {  	_ =	shalt  }
0x57: {  	_ =	shalt  }
0x58: {  	_ =	shalt  }
0x59: {  	_ =	shalt  }
0x5a: {  	_ =	shalt  }
0x5b: {  	_ =	shalt  }
0x5c: {  	_ =	shalt  }
0x5d: {  	_ =	shalt  }
0x5e: {  	_ =	shalt  }
0x5f: {  	_ =	shalt  }
0x60: {  	_ =	shalt  }
0x61: {  	_ =	shalt  }
0x62: {  	_ =	shalt  }
0x63: {  	_ =	shalt  }
0x64: {  	_ =	shalt  }
0x65: {  	_ =	shalt  }
0x66: {  	_ =	shalt  }
0x67: {  	_ =	shalt  }
0x68: {  	_ =	shalt  }
0x69: {  	_ =	shalt  }
0x6a: {  	_ =	shalt  }
0x6b: {  	_ =	shalt  }
0x6c: {  	_ =	shalt  }
0x6d: {  	_ =	shalt  }
0x6e: {  	_ =	shalt  }
0x6f: {  	_ =	shalt  }
0x70: {  	_ =	shalt  }
0x71: {  	_ =	shalt  }
0x72: {  	_ =	shalt  }
0x73: {  	_ =	shalt  }
0x74: {  	_ =	shalt  }
0x75: {  	_ =	shalt  }
0x76: {  	_ =	shalt  }
0x77: {  	_ =	shalt  }
0x78: {  	_ =	shalt  }
0x79: {  	_ =	shalt  }
0x7a: {  	_ =	shalt  }
0x7b: {  	_ =	shalt  }
0x7c: {  	_ =	shalt  }
0x7d: {  	_ =	shalt  }
0x7e: {  	_ =	shalt  }
0x7f: {  	_ =	shalt  }
0x80: {  	_ =	shalt  }
0x81: {  	_ =	shalt  }
0x82: {  	_ =	shalt  }
0x83: {  	_ =	shalt  }
0x84: {  	_ =	shalt  }
0x85: {  	_ =	shalt  }
0x86: {  	_ =	shalt  }
0x87: {  	_ =	shalt  }
.Lfunc_end0:
.L_simem_size_0:
called_computation.1_lowered:
.L_overlay_start_0:
0x88: {  	s2 =	sld [smem:$0x3FD9]  }
0x89: {  	s3 =	sld [smem:$0x3FFE];
	_ =	sdelay $0x1  }
0x8a: {  	s1 =	srdreg.scid  }
0x8b: {  	s0 =	sand.u32 $0x1, s1  }
0x8c: {  	s16 =	sshll.u32 s0, $0xA;
	s2 =	sadd.s32 s3, s2  }
0x8d: {  	s2 =	sadd.s32 s2, s16  }
0x8e: {  	[smem:$0x3FBD] =	sst s2  }
0x8f: {  	_ = 	snop  }
0x90: {  	(tm) =	ssettm $0x1  }
0x91: {  	s17 =	sld [smem:$0x3FFB];
	_ =	sdelay $0x3  }
0x92: {  	_ =	strace s17  }
0x93: {  	s2 =	sld [smem:$0x3FFC];
	_ =	sdelay $0x3  }
0x94: {  	_ =	strace s2  }
0x95: {  	s2 =	sld [smem:$0x3FFD];
	_ =	sdelay $0x3  }
0x96: {  	_ =	strace s2  }
0x97: {  	_ =	strace $0x8FFFFFFF  }
0x98: {  	s18 =	sld [smem:$0x3FDB];
	_ =	sdelay $0x1  }
0x99: {  	s19 =	simm.s32 $_scs_section_size  }
0x9a: {  	s4 =	simm.s32 $_size__tile_overlayer_lowered;
	s5 =	simm.s32 $_tile_overlayer_lowered  }
0x9b: {  	s22 =	simm.s32 $0x1BFF;
	s21 =	sshll.u32 s5, $0x1;
	s2 =	sadd.s32 s19, s18  }
0x9c: {  	s6 =	simm.s32 $0x0;
	s20 =	sshll.u32 s4, $0x1;
	s4 =	sadd.s32 s21, s2  }
0x9d: {  	[timem:s6], [sflag:s22] =	dma.local [hbm:s4], s20  }
0x9e: {  	_ =	swait.ge [sflag:s22], s20  }
0x9f: {  	s3 =	ssub.s32 $0x0, s20;
	[sflag:s22] =	ssyncset.done $0x0  }
0xa0: {  	[sflag:s22] =	ssyncadd.s32 s3;
	_ =	sdelay $0x1  }
0xa1: {  	s23 =	simm.s32 $0x1B8B  }
0xa2: {  	_ =	swait.ge [sflag:s23], $0x1  }
0xa3: {  	[sflag:s23] =	ssyncset.done $0x0  }
0xa4: {  	s25 =	simm.s32 $0x1B8E;
	s24 =	sld [smem:$0x3FFE];
	[sflag:s23] =	ssyncadd.s32 $0xFFFFFFFF  }
0xa5: {  	s26 =	simm.s32 $execute0_lowered;
	[smem:$0x3FD2] =	sst s25  }
0xa6: {  	s4 =	sshll.u32 s26, $0x1;
	_ =	strace $0x80000049;
	[dreg:$0x1] =	wrdreg $0xFFFFFFFF  }
0xa7: {  	s28 =	simm.s32 $_size_execute0_lowered;
	s2 =	sadd.s32 s2, s4;
	[dreg:$0x0] =	wrdreg $0x0  }
0xa8: {  	s4 =	sshll.u32 s28, $0x1;
	[dreg:$0x2] =	wrdreg s2  }
0xa9: {  	[dreg:$0x3] =	wrdreg s4  }
0xaa: {  	[dreg:$0x4] =	wrdreg $0xC0  }
0xab: {  	_ =	task [dreg:s6], $0x5FFFF  }
0xac: {  	[dreg:$0x1] =	wrdreg $0xFFFFFFFF  }
0xad: {  	[dreg:$0x0] =	wrdreg $0x60  }
0xae: {  	[dreg:$0x2] =	wrdreg s24  }
0xaf: {  	[dreg:$0x3] =	wrdreg $0xB0000  }
0xb0: {  	[dreg:$0x4] =	wrdreg $0x9  }
0xb1: {  	_ =	task.clear_ibuf [dreg:s6], $0x5FFFF;
	_ =	strace $0x90000049  }
0xb2: {  	s29 =	simm.s32 $0x9;
	_ =	strace $0x8000004F  }
0xb3: {  	_ =	swait.ge [sflag:s29], $0x1  }
0xb4: {  	[sflag:s29] =	ssyncadd.s32 $0xFFFFFFFF  }
0xb5: {  	_ =	strace $0x9000004F  }
0xb6: {  	_ =	sfence  }
0xb7: {  	s30 =	sld [smem:$0x0];
	_ =	sdelay $0x2  }
0xb8: {  	s31 =	sshll.u32 s1, $0xD;
	s1 =	sshrl.u32 s1, $0x2  }
0xb9: {  	s3 =	sand.u32 $0x4000, s31;
	s1 =	sadd.s32 s1, s30  }
0xba: {  	s0 =	sor.u32 s3, s0;
	s1 =	sshll.u32 s1, $0x11  }
0xbb: {  	s0 =	sor.u32 s1, s0  }
0xbc: {  	s0 =	sadd.s32 $0x8F2B, s0  }
0xbd: {  	[sflag:s0] =	ssyncadd.remote.s32 $0x1  }
0xbe: {  	_ =	sfence.sel $0xFFFF  }
0xbf: {  	[dreg:$0x0] =	wrdreg $0xFFFFFFFF;
	(pc) =	sbr.abs _section_cstart, $3  }
0xc0: {  	[dreg:$0x1] =	wrdreg $0xFFFFFFFF  }
0xc1: {  	_ =	task.clear_ibuf [dreg:s6], $0x2FFFF;
	_ =	strace $0x9FFFFFFF  }
0xc2: {  	(tm) =	ssettm $0x7FFFFFFF  }
0xc3: {  	_ =	shalt  }
tec
execute0_lowered:
.L_overlay_start_1:
0x0: {  	(tag) =	ssettag $0x1  }
0x1: {  	s6 =	rddreg [dreg:$0x0]  }
0x2: {  	s0 =	srdreg.scid;
	s2 =	rddreg [dreg:$0x1];
	s3 =	simm.s32 $0x0  }
0x3: {  	s11 =	simm.s32 $0x3;
	s12 =	simm.s32 $0x1400;
	s13 =	simm.s32 $0x80  }
0x4: {  	s14 =	simm.s32 $0x2800;
	s15 =	simm.s32 $0x6800;
	s16 =	simm.s32 $0x1  }
0x5: {  	s17 =	simm.s32 $0x2;
	s18 =	simm.s32 $0x1380;
	s19 =	simm.s32 $0x2700  }
0x6: {  	s20 =	simm.s32 $0x2780;
	s5 =	sand.u32 $0x1, s0;
	s0 =	stileid.u32  }
0x7: {  	[smem:$0x7FF] =	sst s3;
	s4 =	sadd.s32 $0x1B600, s6;
	s8 =	smul.u32 $0x140000, s5  }
0x8: {  	s1 =	sshll.u32 s5, $0x4;
	s9 =	smul.u32 $0x14000, s0;
	s5 =	ssub.s32 $0x2, s5  }
0x9: {  	s10 =	smul.u32 $0x50000, s0;
	s1 =	sor.u32 s0, s1;
	s31 =	sshrl.u32 s5, $0x1  }
0xa: {  	s7 =	smul.u32 $0x280, s1;
	s1 =	rddreg [dreg:$0x2];
	_ =	strace $0x8000004A  }
0xb: {  	s8 =	sadd.s32 s9, s8;
	s10 =	sshrl.u32 s10, $0x2;
	s9 =	ssub.s32 s5, s31  }
0xc: {  	s8 =	sshrl.u32 s8, $0x3;
	s5 =	sadd.s32 s10, s2;
	s9 =	smax.u32 s9, $0x1  }
0xd: {  	s10 =	simm.s32 $0xA800;
	s7 =	sadd.s32 s7, s6;
	s8 =	sadd.s32 s8, s6  }
0xe: {  	v0 =	vimm.f32 $0.0e+00;
	s6 =	sadd.s32 $0x16600, s7;
	s7 =	sadd.s32 $0x11600, s7;
	s8 =	sadd.s32 $0x43600, s8  }
.LBB2_1:
0xf: {  	_ =	strace $0x8000004B;
	s21 =	simm.s32 $0x0;
	s22 =	simm.s32 $0x200  }
.LBB2_2:
0x10: {  	p0 =	seq.s32 s22, $0x1E00;
	[tilespmem:s21+$0xA870] =	vst v0  }
0x11: {  	[tilespmem:s21+$0xA800] =	vst v0  }
0x12: {  	[tilespmem:s21+$0xA810] =	vst v0  }
.Ltmp0:
0x13: {  	[tilespmem:s21+$0xA820] =	vst v0;
	(pc) =	sbr.rel @!p0 .LBB2_2-.Ltmp0, $4  }
0x14: {  	[tilespmem:s21+$0xA830] =	vst v0  }
0x15: {  	[tilespmem:s21+$0xA840] =	vst v0  }
0x16: {  	[tilespmem:s21+$0xA850] =	vst v0  }
0x17: {  	[tilespmem:s21+$0xA860] =	vst v0;
	s21 =	sshra.s32 s22, $0x2;
	s22 =	sadd.s32 $0x200, s22  }
0x18: {  	[tilespmem:s21+$0xA870] =	vst v0  }
0x19: {  	[tilespmem:s21+$0xA800] =	vst v0  }
0x1a: {  	[tilespmem:s21+$0xA810] =	vst v0  }
0x1b: {  	[tilespmem:s21+$0xA820] =	vst v0  }
0x1c: {  	[tilespmem:s21+$0xA830] =	vst v0  }
0x1d: {  	[tilespmem:s21+$0xA840] =	vst v0  }
0x1e: {  	[tilespmem:s21+$0xA850] =	vst v0  }
0x1f: {  	[tilespmem:s21+$0xA860] =	vst v0;
	s31 =	sadd.s32 $0x0, s5  }
0x20: {  	[spmem:s31] =	stream.linear.scatter [tilespmem:s10], [sflag:$0x3], $0x800, $0x200038;
	[tilespmem:$0x1F000] =	vst v63  }
0x21: {  	s21 =	simm.s32 $0x2000;
	_ =	swait.ge [sflag:s11], $0x800  }
.LBB2_4:
0x22: {  	s22 =	sshra.s32 s21, $0x2;
	[sflag:s11] =	ssyncset.done $0x0;
	p0 =	sne.s32 s21, $0x4E000  }
.Ltmp1:
0x23: {  	s22 =	sadd.s32 s22, s5;
	[sflag:s11] =	ssyncadd.s32 $0xFFFFF800;
	(pc) =	sbr.rel @p0 .LBB2_4-.Ltmp1, $3  }
0x24: {  	[spmem:s22] =	stream.linear.scatter [tilespmem:s10], [sflag:$0x3], $0x800, $0x200038;
	[tilespmem:$0x1F000] =	vst v63  }
0x25: {  	s21 =	sadd.s32 $0x2000, s21;
	_ =	sdelay $0x1  }
0x26: {  	_ =	swait.ge [sflag:s11], $0x800  }
0x27: {  	[sflag:s11] =	ssyncset.done $0x0  }
0x28: {  	[sflag:s11] =	ssyncadd.s32 $0xFFFFF800  }
0x29: {  	_ =	strace $0x9000004B  }
0x2a: {  	s21 =	simm.s32 $0x0;
	_ =	strace $0x8000004C  }
0x2b: {  	[tilespmem:s21], [sflag:$0x3] =	stream.linear.gather [hbm4b:s6+s21], $0x1400, $0x200038;
	[tilespmem:$0x1F000] =	vst v63  }
0x2c: {  	_ =	swait.ge [sflag:s11], $0x1400  }
0x2d: {  	[sflag:s11] =	ssyncset.done $0x0  }
0x2e: {  	[sflag:s11] =	ssyncadd.s32 $0xFFFFEC00  }
0x2f: {  	[tilespmem:s12], [sflag:$0x3] =	stream.linear.gather [hbm4b:s7+s21], $0x1400, $0x200038;
	[tilespmem:$0x1F000] =	vst v63  }
0x30: {  	_ =	swait.ge [sflag:s11], $0x1400  }
0x31: {  	[sflag:s11] =	ssyncset.done $0x0  }
0x32: {  	[sflag:s11] =	ssyncadd.s32 $0xFFFFEC00  }
0x33: {  	[bflag:$0x0] =	sbarrier.arrive $0xFFFF  }
0x34: {  	_ =	strace $0x9000004C  }
0x35: {  	_ =	strace $0x8000004D  }
0x36: {  	[tilespmem:s14], [sflag:$0x1] =	stream.indirect.gather [hbm4b:s4+s13], $0x80, s21, s13, $0x2000b8;
	[tilespmem:$0x1F000] =	vst v63  }
0x37: {  	s28 =	simm.s32 $0x80  }
0x38: {  	[tilespmem:s15], [sflag:$0x2] =	stream.indirect.gather [hbm4b:s4+s13], $0x80, s28, s13, $0x2000b8;
	[tilespmem:$0x1F000] =	vst v63  }
0x39: {  	_ =	swait.ge [sflag:s16], $0x4000  }
0x3a: {  	[sflag:s16] =	ssyncset.done $0x0  }
0x3b: {  	s29 =	simm.s32 $0x1400;
	[sflag:s16] =	ssyncadd.s32 $0xFFFFC000  }
0x3c: {  	[spmem:s2] =	stream.indirect.scatter.add.f32 [tilespmem:s14], [sflag:$0x3], $0x80, s29, s13, $0x2000b8;
	[tilespmem:$0x1F000] =	vst v63  }
0x3d: {  	_ =	swait.ge [sflag:s11], $0x4000  }
0x3e: {  	[sflag:s11] =	ssyncset.done $0x0  }
0x3f: {  	s30 =	simm.s32 $0x100;
	[sflag:s11] =	ssyncadd.s32 $0xFFFFC000  }
0x40: {  	[tilespmem:s14], [sflag:$0x1] =	stream.indirect.gather [hbm4b:s4+s13], $0x80, s30, s13, $0x2000b8;
	[tilespmem:$0x1F000] =	vst v63  }
0x41: {  	_ =	swait.ge [sflag:s17], $0x4000  }
0x42: {  	[sflag:s17] =	ssyncset.done $0x0  }
0x43: {  	s31 =	simm.s32 $0x1480;
	[sflag:s17] =	ssyncadd.s32 $0xFFFFC000  }
0x44: {  	[spmem:s2] =	stream.indirect.scatter.add.f32 [tilespmem:s15], [sflag:$0x3], $0x80, s31, s13, $0x2000b8;
	[tilespmem:$0x1F000] =	vst v63  }
0x45: {  	_ =	swait.ge [sflag:s11], $0x4000  }
0x46: {  	s22 =	simm.s32 $0x800;
	s21 =	simm.s32 $0x100;
	[sflag:s11] =	ssyncset.done $0x0  }
.LBB2_6:
0x47: {  	s23 =	sadd.s32 $0x80, s21  }
0x48: {  	[sflag:s11] =	ssyncadd.s32 $0xFFFFC000;
	s24 =	smov.u32 s22;
	s25 =	sadd.s32 $0x400, s22  }
0x49: {  	[tilespmem:s15], [sflag:$0x2] =	stream.indirect.gather [hbm4b:s4+s13], $0x80, s23, s13, $0x2000b8;
	[tilespmem:$0x1F000] =	vst v63  }
0x4a: {  	p0 =	sne.s32 s22, $0x4800;
	_ =	swait.ge [sflag:s16], $0x4000  }
0x4b: {  	[sflag:s16] =	ssyncset.done $0x0  }
0x4c: {  	s22 =	sadd.s32 $0x1400, s21;
	[sflag:s16] =	ssyncadd.s32 $0xFFFFC000  }
0x4d: {  	[spmem:s2] =	stream.indirect.scatter.add.f32 [tilespmem:s14], [sflag:$0x3], $0x80, s22, s13, $0x2000b8;
	[tilespmem:$0x1F000] =	vst v63  }
0x4e: {  	_ =	swait.ge [sflag:s11], $0x4000  }
0x4f: {  	[sflag:s11] =	ssyncset.done $0x0  }
0x50: {  	s22 =	sadd.s32 $0x100, s21;
	[sflag:s11] =	ssyncadd.s32 $0xFFFFC000  }
0x51: {  	[tilespmem:s14], [sflag:$0x1] =	stream.indirect.gather [hbm4b:s4+s13], $0x80, s22, s13, $0x2000b8;
	[tilespmem:$0x1F000] =	vst v63  }
0x52: {  	_ =	swait.ge [sflag:s17], $0x4000  }
.Ltmp2:
0x53: {  	[sflag:s17] =	ssyncset.done $0x0;
	(pc) =	sbr.rel @p0 .LBB2_6-.Ltmp2, $4  }
0x54: {  	s21 =	sadd.s32 $0x1480, s21;
	[sflag:s17] =	ssyncadd.s32 $0xFFFFC000  }
0x55: {  	[spmem:s2] =	stream.indirect.scatter.add.f32 [tilespmem:s15], [sflag:$0x3], $0x80, s21, s13, $0x2000b8;
	[tilespmem:$0x1F000] =	vst v63  }
0x56: {  	_ =	swait.ge [sflag:s11], $0x4000  }
0x57: {  	s22 =	smov.u32 s25;
	s21 =	sshra.s32 s24, $0x2;
	[sflag:s11] =	ssyncset.done $0x0  }
0x58: {  	s22 =	sadd.s32 $0x80, s21;
	[sflag:s11] =	ssyncadd.s32 $0xFFFFC000  }
0x59: {  	[tilespmem:s15], [sflag:$0x2] =	stream.indirect.gather [hbm4b:s4+s13], $0x80, s22, s13, $0x2000b8;
	[tilespmem:$0x1F000] =	vst v63  }
0x5a: {  	_ =	swait.ge [sflag:s16], $0x4000  }
0x5b: {  	[sflag:s16] =	ssyncset.done $0x0  }
0x5c: {  	s26 =	sadd.s32 $0x1400, s21;
	[sflag:s16] =	ssyncadd.s32 $0xFFFFC000  }
0x5d: {  	[spmem:s2] =	stream.indirect.scatter.add.f32 [tilespmem:s14], [sflag:$0x3], $0x80, s26, s13, $0x2000b8;
	[tilespmem:$0x1F000] =	vst v63  }
0x5e: {  	_ =	swait.ge [sflag:s11], $0x4000  }
0x5f: {  	[sflag:s11] =	ssyncset.done $0x0  }
0x60: {  	s28 =	sadd.s32 $0x100, s21;
	[sflag:s11] =	ssyncadd.s32 $0xFFFFC000  }
0x61: {  	[tilespmem:s14], [sflag:$0x1] =	stream.indirect.gather [hbm4b:s4+s13], $0x80, s28, s13, $0x2000b8;
	[tilespmem:$0x1F000] =	vst v63  }
0x62: {  	_ =	swait.ge [sflag:s17], $0x4000  }
0x63: {  	[sflag:s17] =	ssyncset.done $0x0  }
0x64: {  	s29 =	sadd.s32 $0x1480, s21;
	[sflag:s17] =	ssyncadd.s32 $0xFFFFC000  }
0x65: {  	[spmem:s2] =	stream.indirect.scatter.add.f32 [tilespmem:s15], [sflag:$0x3], $0x80, s29, s13, $0x2000b8;
	[tilespmem:$0x1F000] =	vst v63  }
0x66: {  	_ =	swait.ge [sflag:s11], $0x4000  }
0x67: {  	[sflag:s11] =	ssyncset.done $0x0  }
0x68: {  	[sflag:s11] =	ssyncadd.s32 $0xFFFFC000  }
0x69: {  	[tilespmem:s15], [sflag:$0x2] =	stream.indirect.gather [hbm4b:s4+s13], $0x80, s18, s13, $0x2000b8;
	[tilespmem:$0x1F000] =	vst v63  }
0x6a: {  	_ =	swait.ge [sflag:s16], $0x4000  }
0x6b: {  	[sflag:s16] =	ssyncset.done $0x0  }
0x6c: {  	[sflag:s16] =	ssyncadd.s32 $0xFFFFC000  }
0x6d: {  	[spmem:s2] =	stream.indirect.scatter.add.f32 [tilespmem:s14], [sflag:$0x3], $0x80, s19, s13, $0x2000b8;
	[tilespmem:$0x1F000] =	vst v63  }
0x6e: {  	_ =	swait.ge [sflag:s11], $0x4000  }
0x6f: {  	[sflag:s11] =	ssyncset.done $0x0  }
0x70: {  	[sflag:s11] =	ssyncadd.s32 $0xFFFFC000  }
0x71: {  	_ =	swait.ge [sflag:s17], $0x4000  }
0x72: {  	[sflag:s17] =	ssyncset.done $0x0  }
0x73: {  	[sflag:s17] =	ssyncadd.s32 $0xFFFFC000  }
0x74: {  	[spmem:s2] =	stream.indirect.scatter.add.f32 [tilespmem:s15], [sflag:$0x3], $0x80, s20, s13, $0x2000b8;
	[tilespmem:$0x1F000] =	vst v63  }
0x75: {  	_ =	swait.ge [sflag:s11], $0x4000  }
0x76: {  	[sflag:s11] =	ssyncset.done $0x0  }
0x77: {  	[sflag:s11] =	ssyncadd.s32 $0xFFFFC000  }
0x78: {  	s30 =	sshll.u32 s0, $0x6;
	[bflag:$0x0] =	sbarrier.arrive $0xFFFF  }
0x79: {  	s31 =	sshrl.u32 s5, $0x3;
	s3 =	sadd.s32 $0x1, s3;
	_ =	strace $0x9000004D  }
0x7a: {  	s21 =	sor.u32 $0x1C03, s30;
	p0 =	sne.s32 s3, s9;
	_ =	strace $0x8000004E  }
0x7b: {  	[hbm:s8], [sflag:s21] =	dma.local [spmem:s31], $0x2800  }
.Ltmp3:
0x7c: {  	_ = 	snop;
	(pc) =	sbr.rel @p0 .LBB2_1-.Ltmp3, $4  }
0x7d: {  	_ =	swait.ge [sflag:s11], $0x2800  }
0x7e: {  	[sflag:s11] =	ssyncset.done $0x0  }
0x7f: {  	[sflag:s11] =	ssyncadd.s32 $0xFFFFD800  }
0x80: {  	_ =	strace $0x9000004E  }
0x81: {  	_ =	sfence.sel $0x180000  }
0x82: {  	[bflag:$0x0] =	sbarrier.arrive $0xFFFF  }
0x83: {  	p0 =	sne.s32 s0, $0x0;
	_ =	strace $0x9000004A  }
0x84: {  	s0 =	sadd.s32 @!p0 $0x100000, s1;
	[bflag:$0x2] =	sbarrier.arrive $0xFFFF  }
0x85: {  	[sflag:s0] =	ssyncadd.tile.s32 @!p0 $0x1;
	_ =	shalt  }
.Lfunc_end2:
_tile_overlayer_lowered:
.L_overlay_start_2:
0x86: {  	(tag) =	ssettag $0x2  }
0x87: {  	s0 =	rddreg [dreg:$0x0];
	s2 =	stileid.u32  }
0x88: {  	s1 =	rddreg [dreg:$0x1];
	p0 =	sne.s32 s2, $0x0  }
0x89: {  	s3 =	rddreg [dreg:$0x2];
	[bflag:$0x3] =	sbarrier.arrive $0xFFFF;
	s2 =	simm.s32 @!p0 $0x1C03  }
0x8a: {  	[timem:s3], [sflag:s2] =	dma.local @!p0 [hbm:s0], s1  }
0x8b: {  	s0 =	simm.s32 @!p0 $0x3  }
0x8c: {  	_ =	swait.ge @!p0 [sflag:s0], s1  }
0x8d: {  	s1 =	ssub.s32 @!p0 $0x0, s1;
	[sflag:s0] =	ssyncset.done @!p0 $0x0  }
0x8e: {  	[sflag:s0] =	ssyncadd.s32 @!p0 s1  }
0x8f: {  	[bflag:$0x3] =	sbarrier.arrive $0xFFFF  }
0x90: {  	_ =	shalt  }

// kernel: kernel.7.cloned.1.call-start
scs
__scs_entry_jumppad:
0x0: {  	(pc) =	sbr.rel $0x88, $3  }
0x1: {  	(tag) =	ssettag $0x0;
	lr =	simm.s32 $0x1  }
0x2: {  	[smem:$0x3F96] =	sst lr;
	_ =	strace $0xD0000000  }
0x3: {  	_ = 	snop  }
0x4: {  	_ = 	snop  }
0x5: {  	_ = 	snop  }
0x6: {  	_ = 	snop  }
0x7: {  	_ = 	snop  }
__scs_overlays_trampoline_lowered:
0x8: {  	[smem:$0x3FA5] =	sst s0  }
0x9: {  	[smem:$0x3FA6] =	sst s1  }
0xa: {  	[smem:$0x3FA7] =	sst s2  }
0xb: {  	[smem:$0x3FA8] =	sst s3  }
0xc: {  	[smem:$0x3FA9] =	sst s4  }
0xd: {  	[smem:$0x3FAA] =	sst s5  }
0xe: {  	[smem:$0x3FAB] =	sst s6  }
0xf: {  	[smem:$0x3FAC] =	sst s7  }
0x10: {  	[smem:$0x3FAD] =	sst s8  }
0x11: {  	[smem:$0x3FAE] =	sst s9;
	s0 =	simm.s32 @!p0 $0x0  }
0x12: {  	s1 =	sld [smem:$0x3F94];
	s0 =	simm.s32 @p0 $0x1  }
0x13: {  	[smem:$0x3FAF] =	sst s0;
	s0 =	simm.s32 @!p1 $0x0  }
0x14: {  	s2 =	sld [smem:$0x3F93];
	s0 =	simm.s32 @p1 $0x1  }
0x15: {  	[smem:$0x3FB0] =	sst s0;
	s0 =	simm.s32 @!p2 $0x0  }
0x16: {  	s3 =	sld [smem:$0x3FDB];
	s0 =	simm.s32 @p2 $0x1  }
0x17: {  	s4 =	simm.s32 $0x1BF5;
	[smem:$0x3FB2] =	sst s0  }
0x18: {  	s0 =	sld [smem:$0x3F95];
	_ =	swait.ge [sflag:s4], $0x0  }
0x19: {  	s7 =	sld [smem:$0x3F96]  }
0x1a: {  	s8 =	sadd.s32 $0xFFFFE003, lr  }
0x1b: {  	s9 =	sadd.s32 $0xFFFFFEF7, lr;
	s5 =	simm.s32 $0xFFFFFFFF;
	p2 =	slt.u32 s8, $0xFFFFF086  }
0x1c: {  	p1 =	slt.u32 s9, $0xF7A;
	s5 =	simm.s32 @!p2 $0x0  }
0x1d: {  	s5 =	simm.s32 @p1 $0x1;
	p0 =	seq.s32 s7, s2  }
0x1e: {  	s7 =	smul.u32 @!p0 $0xF7A, s2;
	p2 =	seq.s32 @!p0 s5, $0x0  }
0x1f: {  	s9 =	smul.u32 $0xF7A, s1;
	s8 =	simm.s32 @!p0 $0x1BF5;
	p2 =	por !p2, p0  }
0x20: {  	[sflag:s8] =	ssyncset.s32 @!p0 $0xFFFFF086;
	s6 =	sadd.s32 @!p0 s3, s7;
	s7 =	simm.s32 @!p0 $0x108  }
0x21: {  	s3 =	sadd.s32 s3, s9;
	s6 =	sadd.s32 @!p0 $0x88, s6;
	s7 =	simm.s32 @p2 $0x1082  }
0x22: {  	[simem:s7], [sflag:s8] =	dma.local @!p0 [hbm:s6], $0xF7A  }
0x23: {  	s9 =	sor.u32 $0xD0000000, s2;
	s6 =	simm.s32 $0x108;
	_ =	swait.ge @!p0 [sflag:s8], $0x0  }
0x24: {  	s3 =	sadd.s32 $0x88, s3;
	s6 =	simm.s32 @!p1 $0x1082;
	[sflag:s4] =	ssyncset.s32 $0xFFFFF086  }
0x25: {  	[simem:s6], [sflag:s4] =	dma.local [hbm:s3], $0xF7A  }
0x26: {  	[smem:$0x3F96] =	sst s1;
	(tag) =	ssettag s2;
	_ =	strace s9  }
0x27: {  	s1 =	sld [smem:$0x3FA6]  }
0x28: {  	s2 =	sld [smem:$0x3FA7]  }
0x29: {  	s4 =	sld [smem:$0x3FA9]  }
0x2a: {  	p0 =	seq.s32 s5, $0x0;
	s5 =	sld [smem:$0x3FAA]  }
0x2b: {  	s6 =	sld [smem:$0x3FAB]  }
0x2c: {  	s7 =	sld [smem:$0x3FAC]  }
0x2d: {  	s3 =	simm.s32 $0x108;
	s8 =	sld [smem:$0x3FAD]  }
0x2e: {  	s3 =	simm.s32 @!p0 $0x1082;
	s9 =	sld [smem:$0x3FAE]  }
0x2f: {  	lr =	sadd.s32 s0, s3;
	s0 =	sld [smem:$0x3FA5]  }
0x30: {  	s3 =	sld [smem:$0x3FA8]  }
0x31: {  	[smem:$0x3FB1] =	sst s10  }
0x32: {  	s10 =	sld [smem:$0x3FAF];
	_ =	sdelay $0x3  }
0x33: {  	p0 =	seq.s32 s10, $0x1;
	s10 =	sld [smem:$0x3FB1];
	_ =	sdelay $0x3  }
0x34: {  	[smem:$0x3FB1] =	sst s10  }
0x35: {  	s10 =	sld [smem:$0x3FB0];
	_ =	sdelay $0x3  }
0x36: {  	p1 =	seq.s32 s10, $0x1;
	s10 =	sld [smem:$0x3FB1];
	_ =	sdelay $0x3  }
0x37: {  	[smem:$0x3FB1] =	sst s10  }
0x38: {  	s10 =	sld [smem:$0x3FB2]  }
0x39: {  	_ = 	snop;
	(pc) =	sbr.ind lr, $3  }
0x3a: {  	_ = 	snop  }
0x3b: {  	_ = 	snop  }
0x3c: {  	p2 =	seq.s32 s10, $0x1;
	s10 =	sld [smem:$0x3FB1]  }
0x3d: {  	_ =	shalt  }
0x3e: {  	_ =	shalt  }
0x3f: {  	_ =	shalt  }
0x40: {  	_ =	shalt  }
0x41: {  	_ =	shalt  }
0x42: {  	_ =	shalt  }
0x43: {  	_ =	shalt  }
0x44: {  	_ =	shalt  }
0x45: {  	_ =	shalt  }
0x46: {  	_ =	shalt  }
0x47: {  	_ =	shalt  }
0x48: {  	_ =	shalt  }
0x49: {  	_ =	shalt  }
0x4a: {  	_ =	shalt  }
0x4b: {  	_ =	shalt  }
0x4c: {  	_ =	shalt  }
0x4d: {  	_ =	shalt  }
0x4e: {  	_ =	shalt  }
0x4f: {  	_ =	shalt  }
0x50: {  	_ =	shalt  }
0x51: {  	_ =	shalt  }
0x52: {  	_ =	shalt  }
0x53: {  	_ =	shalt  }
0x54: {  	_ =	shalt  }
0x55: {  	_ =	shalt  }
0x56: {  	_ =	shalt  }
0x57: {  	_ =	shalt  }
0x58: {  	_ =	shalt  }
0x59: {  	_ =	shalt  }
0x5a: {  	_ =	shalt  }
0x5b: {  	_ =	shalt  }
0x5c: {  	_ =	shalt  }
0x5d: {  	_ =	shalt  }
0x5e: {  	_ =	shalt  }
0x5f: {  	_ =	shalt  }
0x60: {  	_ =	shalt  }
0x61: {  	_ =	shalt  }
0x62: {  	_ =	shalt  }
0x63: {  	_ =	shalt  }
0x64: {  	_ =	shalt  }
0x65: {  	_ =	shalt  }
0x66: {  	_ =	shalt  }
0x67: {  	_ =	shalt  }
0x68: {  	_ =	shalt  }
0x69: {  	_ =	shalt  }
0x6a: {  	_ =	shalt  }
0x6b: {  	_ =	shalt  }
0x6c: {  	_ =	shalt  }
0x6d: {  	_ =	shalt  }
0x6e: {  	_ =	shalt  }
0x6f: {  	_ =	shalt  }
0x70: {  	_ =	shalt  }
0x71: {  	_ =	shalt  }
0x72: {  	_ =	shalt  }
0x73: {  	_ =	shalt  }
0x74: {  	_ =	shalt  }
0x75: {  	_ =	shalt  }
0x76: {  	_ =	shalt  }
0x77: {  	_ =	shalt  }
0x78: {  	_ =	shalt  }
0x79: {  	_ =	shalt  }
0x7a: {  	_ =	shalt  }
0x7b: {  	_ =	shalt  }
0x7c: {  	_ =	shalt  }
0x7d: {  	_ =	shalt  }
0x7e: {  	_ =	shalt  }
0x7f: {  	_ =	shalt  }
0x80: {  	_ =	shalt  }
0x81: {  	_ =	shalt  }
0x82: {  	_ =	shalt  }
0x83: {  	_ =	shalt  }
0x84: {  	_ =	shalt  }
0x85: {  	_ =	shalt  }
0x86: {  	_ =	shalt  }
0x87: {  	_ =	shalt  }
.Lfunc_end0:
.L_simem_size_0:
called_computation_lowered:
.L_overlay_start_0:
0x88: {  	s2 =	sld [smem:$0x3FD9]  }
0x89: {  	s3 =	sld [smem:$0x3FFE];
	_ =	sdelay $0x1  }
0x8a: {  	s1 =	srdreg.scid  }
0x8b: {  	s0 =	sand.u32 $0x1, s1  }
0x8c: {  	s16 =	sshll.u32 s0, $0xA;
	s2 =	sadd.s32 s3, s2  }
0x8d: {  	s2 =	sadd.s32 s2, s16  }
0x8e: {  	[smem:$0x3FBD] =	sst s2  }
0x8f: {  	_ = 	snop  }
0x90: {  	(tm) =	ssettm $0x1  }
0x91: {  	s17 =	sld [smem:$0x3FFB];
	_ =	sdelay $0x3  }
0x92: {  	_ =	strace s17  }
0x93: {  	s2 =	sld [smem:$0x3FFC];
	_ =	sdelay $0x3  }
0x94: {  	_ =	strace s2  }
0x95: {  	s2 =	sld [smem:$0x3FFD];
	_ =	sdelay $0x3  }
0x96: {  	_ =	strace s2  }
0x97: {  	_ =	strace $0x8FFFFFFF  }
0x98: {  	s18 =	sld [smem:$0x3FDB];
	_ =	sdelay $0x1  }
0x99: {  	s19 =	simm.s32 $_scs_section_size  }
0x9a: {  	s4 =	simm.s32 $_size__tile_overlayer_lowered;
	s5 =	simm.s32 $_tile_overlayer_lowered  }
0x9b: {  	s22 =	simm.s32 $0x1BFF;
	s21 =	sshll.u32 s5, $0x1;
	s2 =	sadd.s32 s19, s18  }
0x9c: {  	s6 =	simm.s32 $0x0;
	s20 =	sshll.u32 s4, $0x1;
	s4 =	sadd.s32 s21, s2  }
0x9d: {  	[timem:s6], [sflag:s22] =	dma.local [hbm:s4], s20  }
0x9e: {  	_ =	swait.ge [sflag:s22], s20  }
0x9f: {  	s3 =	ssub.s32 $0x0, s20;
	[sflag:s22] =	ssyncset.done $0x0  }
0xa0: {  	[sflag:s22] =	ssyncadd.s32 s3;
	_ =	sdelay $0x1  }
0xa1: {  	s23 =	simm.s32 $0x1B8B  }
0xa2: {  	_ =	swait.ge [sflag:s23], $0x1  }
0xa3: {  	[sflag:s23] =	ssyncset.done $0x0  }
0xa4: {  	s25 =	simm.s32 $0x1B8E;
	s24 =	sld [smem:$0x3FFE];
	[sflag:s23] =	ssyncadd.s32 $0xFFFFFFFF  }
0xa5: {  	s26 =	simm.s32 $execute0_lowered;
	[smem:$0x3FD2] =	sst s25  }
0xa6: {  	s4 =	sshll.u32 s26, $0x1;
	_ =	strace $0x80000046;
	[dreg:$0x1] =	wrdreg $0xFFFFFFFF  }
0xa7: {  	s28 =	simm.s32 $_size_execute0_lowered;
	s2 =	sadd.s32 s2, s4;
	[dreg:$0x0] =	wrdreg $0x0  }
0xa8: {  	s4 =	sshll.u32 s28, $0x1;
	[dreg:$0x2] =	wrdreg s2  }
0xa9: {  	[dreg:$0x3] =	wrdreg s4  }
0xaa: {  	[dreg:$0x4] =	wrdreg $0xC0  }
0xab: {  	_ =	task [dreg:s6], $0x5FFFF  }
0xac: {  	[dreg:$0x1] =	wrdreg $0xFFFFFFFF  }
0xad: {  	[dreg:$0x0] =	wrdreg $0x60  }
0xae: {  	[dreg:$0x2] =	wrdreg s24  }
0xaf: {  	[dreg:$0x3] =	wrdreg $0x9  }
0xb0: {  	_ =	task.clear_ibuf [dreg:s6], $0x4FFFF;
	_ =	strace $0x90000046  }
0xb1: {  	s29 =	simm.s32 $0x9;
	_ =	strace $0x80000048  }
0xb2: {  	_ =	swait.ge [sflag:s29], $0x1  }
0xb3: {  	[sflag:s29] =	ssyncadd.s32 $0xFFFFFFFF  }
0xb4: {  	_ =	strace $0x90000048  }
0xb5: {  	_ =	sfence  }
0xb6: {  	s30 =	sld [smem:$0x0];
	_ =	sdelay $0x2  }
0xb7: {  	s31 =	sshll.u32 s1, $0xD;
	s1 =	sshrl.u32 s1, $0x2  }
0xb8: {  	s3 =	sand.u32 $0x4000, s31;
	s1 =	sadd.s32 s1, s30  }
0xb9: {  	s0 =	sor.u32 s3, s0;
	s1 =	sshll.u32 s1, $0x11  }
0xba: {  	s0 =	sor.u32 s1, s0  }
0xbb: {  	s0 =	sadd.s32 $0x8F2B, s0  }
0xbc: {  	[sflag:s0] =	ssyncadd.remote.s32 $0x1  }
0xbd: {  	_ =	sfence.sel $0xFFFF  }
0xbe: {  	[dreg:$0x0] =	wrdreg $0xFFFFFFFF;
	(pc) =	sbr.abs _section_cstart, $3  }
0xbf: {  	[dreg:$0x1] =	wrdreg $0xFFFFFFFF  }
0xc0: {  	_ =	task.clear_ibuf [dreg:s6], $0x2FFFF;
	_ =	strace $0x9FFFFFFF  }
0xc1: {  	(tm) =	ssettm $0x7FFFFFFF  }
tec
execute0_lowered:
.L_overlay_start_1:
0x0: {  	(tag) =	ssettag $0x1  }
0x1: {  	s0 =	srdreg.scid  }
0x2: {  	s3 =	sand.u32 $0x1, s0  }
0x3: {  	s4 =	rddreg [dreg:$0x0];
	s0 =	stileid.u32;
	s1 =	sshll.u32 s3, $0x4  }
0x4: {  	s2 =	simm.s32 $0x0;
	s8 =	simm.s32 $0x80;
	s5 =	sor.u32 s0, s1  }
0x5: {  	s9 =	simm.s32 $0x400;
	[smem:$0x7FF] =	sst s2;
	s6 =	sshrl.u32 s5, $0x3  }
0x6: {  	s7 =	sshll.u32 s0, $0x7;
	s3 =	ssub.s32 $0x2, s3;
	s6 =	smul.u32 $0x14000, s6  }
0x7: {  	s1 =	rddreg [dreg:$0x1];
	s7 =	sand.u32 $0x380, s7;
	s5 =	smul.u32 $0x271, s5  }
0x8: {  	v0 =	vlaneseq.u32;
	_ =	strace $0x80000047;
	s30 =	sshrl.u32 s3, $0x1;
	s6 =	sor.u32 s7, s6  }
0x9: {  	v2 =	vmul.u32 $0xFFFFFFFF, v0;
	s31 =	ssub.s32 s3, s30;
	s5 =	sadd.s32 s5, s4;
	s6 =	sshrl.u32 s6, $0x3  }
0xa: {  	v1 =	vimm.s32 $0x0;
	s3 =	sadd.s32 $0x2600, s5;
	s5 =	smax.u32 s31, $0x1;
	s4 =	sadd.s32 s6, s4  }
0xb: {  	v3 =	vimm.f32 $1.000000000e+00;
	v0 =	vimm.f32 $0.0e+00;
	v2 =	vadd.s32 $0x1388, v2;
	s7 =	simm.s32 $0x1400;
	s6 =	simm.s32 $0x1;
	s4 =	sadd.s32 $0x7600, s4  }
.LBB2_1:
0xc: {  	s10 =	simm.s32 $0x40;
	s11 =	simm.s32 $0x0  }
.LBB2_2:
0xd: {  	p0 =	sne.s32 s10, $0x9FC0;
	[tilespmem:s11+$0x1400] =	vst v0;
	s11 =	smov.u32 s10;
	s10 =	sadd.s32 $0x40, s10  }
.Ltmp0:
0xe: {  	(pc) =	sbr.rel @p0 .LBB2_2-.Ltmp0, $2  }
0xf: {  	_ =	sdelay $0x2  }
0x10: {  	s11 =	sshra.s32 s11, $0x2  }
0x11: {  	[tilespmem:s11+$0x1400] =	vst v0  }
0x12: {  	s10 =	simm.s32 $0x0;
	[tilespmem:$0x1380] =	vst v1  }
0x13: {  	[tilespmem:s10], [sflag:$0x1] =	stream.linear.gather [hbm4b:s3+s10], $0x1388, $0x38;
	[tilespmem:$0x3C00] =	vst v63  }
0x14: {  	_ =	swait.ge [sflag:s6], $0x1388  }
0x15: {  	[sflag:s6] =	ssyncset.done $0x0  }
0x16: {  	[sflag:s6] =	ssyncadd.s32 $0xFFFFEC78  }
0x17: {  	s11 =	simm.s32 $0x10;
	s12 =	simm.s32 $0x0;
	v4 =	vld [tilespmem:s10+$0x0]  }
.LBB2_4:
0x18: {  	p0 =	sne.s32 s11, $0x1380;
	v5 =	vmov s10;
	s10 =	smov.u32 s11  }
0x19: {  	vm0 =	vlt.u32 v5, v2;
	_ =	sdelay $0x2  }
.Ltmp1:
0x1a: {  	(pc) =	sbr.rel @p0 .LBB2_4-.Ltmp1, $3  }
0x1b: {  	_ =	sdelay $0x1  }
0x1c: {  	s12 =	sadd.s32 $0x10, s12;
	[tilespmem:v4+s7+$0x0] =	vst.idx.add.f32.msk vm0, v3  }
0x1d: {  	s11 =	sadd.s32 $0x10, s11;
	v4 =	vld [tilespmem:s12+$0x0]  }
0x1e: {  	_ = 	snop  }
0x1f: {  	v5 =	vmov s10  }
0x20: {  	vm0 =	vlt.u32 v5, v2;
	_ =	sdelay $0x3  }
0x21: {  	s2 =	sadd.s32 $0x1, s2  }
0x22: {  	p0 =	sne.s32 s2, s5  }
.Ltmp2:
0x23: {  	[tilespmem:v4+s7+$0x0] =	vst.idx.add.f32.msk vm0, v3;
	(pc) =	sbr.rel @p0 .LBB2_1-.Ltmp2, $4  }
0x24: {  	[hbm4b:s4+s8] =	stream.strided.scatter [tilespmem:s7], [sflag:$0x1], $0x2800, s9, s8, $0x38;
	[tilespmem:$0x3C00] =	vst v63  }
0x25: {  	_ =	swait.ge [sflag:s6], $0x2800  }
0x26: {  	[sflag:s6] =	ssyncset.done $0x0  }
0x27: {  	[sflag:s6] =	ssyncadd.s32 $0xFFFFD800  }
0x28: {  	_ =	sfence.sel $0x180000  }
0x29: {  	[bflag:$0x0] =	sbarrier.arrive $0xFFFF  }
0x2a: {  	p0 =	sne.s32 s0, $0x0;
	_ =	strace $0x90000047  }
0x2b: {  	s0 =	sadd.s32 @!p0 $0x100000, s1;
	[bflag:$0x2] =	sbarrier.arrive $0xFFFF  }
0x2c: {  	[sflag:s0] =	ssyncadd.tile.s32 @!p0 $0x1;
	_ =	shalt  }
.Lfunc_end2:
_tile_overlayer_lowered:
.L_overlay_start_2:
0x2d: {  	(tag) =	ssettag $0x2  }
0x2e: {  	s0 =	rddreg [dreg:$0x0];
	s2 =	stileid.u32  }
0x2f: {  	s1 =	rddreg [dreg:$0x1];
	p0 =	sne.s32 s2, $0x0  }
0x30: {  	s3 =	rddreg [dreg:$0x2];
	[bflag:$0x3] =	sbarrier.arrive $0xFFFF;
	s2 =	simm.s32 @!p0 $0x1C01  }
0x31: {  	[timem:s3], [sflag:s2] =	dma.local @!p0 [hbm:s0], s1  }
0x32: {  	s0 =	simm.s32 @!p0 $0x1  }
0x33: {  	_ =	swait.ge @!p0 [sflag:s0], s1  }
0x34: {  	s1 =	ssub.s32 @!p0 $0x0, s1;
	[sflag:s0] =	ssyncset.done @!p0 $0x0  }
0x35: {  	[sflag:s0] =	ssyncadd.s32 @!p0 s1  }
0x36: {  	[bflag:$0x3] =	sbarrier.arrive $0xFFFF  }
0x37: {  	_ =	shalt  }

</sc_bundles>
